<compile_context>
chip_gen: v7x
topology: tpu7x:2x2x1
jax: 0.10.2.dev20260603
libtpu: 0.0.44.dev20260713+nightly
codegen_flags: <defaults>
</compile_context>

<pallas_src>
import functools

import jax
import jax.numpy as jnp
import numpy as np
from jax import lax
from jax.experimental import pallas as pl
from jax.experimental.pallas import tpu as pltpu
from jax.experimental.pallas import tpu_sc as plsc

_T = 1000
_N = 50000
_G = 500
_H = 64
_BN = 512
_NB = 98
_N_PAD = _NB * _BN
_GP = 512
_CW = _H + 1
_HALFC = 25088
_RPS = 1576
_ROWS = 16 * _RPS
_CH = 128
_NCHP = 402
_E_PAD = _NCHP * _CH * 16
_ZR = 64
_DUMP_DST = 2 * _HALFC + _ROWS


def _schedule():
    betas = np.linspace(1e-4, 0.02, _T, dtype=np.float64)
    alphas_bar = np.cumprod(1.0 - betas)
    return (np.sqrt(alphas_bar).astype(np.float32),
            np.sqrt(1.0 - alphas_bar).astype(np.float32))


def _cond_kernel(tpg_ref, lab_ref, gpe_ref, wp_ref, bp_ref, tt_ref, out_ref):
    tpg = tpg_ref[...]
    iota_t = lax.broadcasted_iota(jnp.int32, (_GP, _T), 1)
    oh_t = (tpg == iota_t).astype(jnp.float32)
    te = jnp.dot(oh_t, tt_ref[...], preferred_element_type=jnp.float32)
    cond = te + jnp.dot(gpe_ref[...], wp_ref[...],
                        preferred_element_type=jnp.float32) + bp_ref[...]
    row = lax.broadcasted_iota(jnp.int32, (_GP, 1), 0)
    valid = (row < _G).astype(jnp.float32)
    out_ref[...] = jnp.concatenate(
        [cond * valid, lab_ref[...] * valid,
         jnp.zeros((_GP, 80 - _CW), jnp.float32)], axis=1)


def _h_kernel(ids_ref, t_ref, noise_ref, cond_ref, sched_ref, wi_ref,
              bi_ref, h_ref, lab_ref):
    ids = ids_ref[...]
    iota_g = lax.broadcasted_iota(jnp.int32, (_BN, _GP), 1)
    oh_g = (ids == iota_g).astype(jnp.float32)
    ce = jnp.dot(oh_g, cond_ref[...], preferred_element_type=jnp.float32)
    labels = ce[:, _H:_H + 1]
    t = t_ref[...]
    iota_t = lax.broadcasted_iota(jnp.int32, (_BN, _T), 1)
    oh_t = (t == iota_t).astype(jnp.float32)
    coef = jnp.dot(oh_t, sched_ref[...], preferred_element_type=jnp.float32)
    noisy = coef[:, 0:1] * labels + coef[:, 1:2] * noise_ref[...]
    h_ref[...] = jax.nn.relu(noisy * wi_ref[...] + bi_ref[...] + ce[:, :_H])
    lab_ref[...] = labels


def _seg_kernel(h_hbm, src_hbm, dst_hbm, outh_hbm, outd_hbm,
                srcb, dstb, dlocb, rows_v, zero_v, ones_v, acc, accd, sem_g,
                sem_s):
    c = lax.axis_index("c")
    s = lax.axis_index("s")
    z16 = jnp.zeros((16,), jnp.float32)

    def zrow(r, _):
        for j in range(_H // 16):
            zero_v[r, pl.ds(j * 16, 16)] = z16
        return 0
    lax.fori_loop(0, _ZR, zrow, 0)
    for j in range(_CH // 16):
        ones_v[pl.ds(j * 16, 16)] = z16

    zbase = s * _RPS

    def zblk(k, _):
        pltpu.sync_copy(zero_v, acc.at[pl.ds(zbase + k * _ZR, _ZR)])
        pltpu.sync_copy(ones_v.at[pl.ds(0, _ZR)],
                        accd.at[pl.ds(zbase + k * _ZR, _ZR)])
        return 0
    lax.fori_loop(0, _RPS // _ZR, zblk, 0)
    rem = _RPS % _ZR
    pltpu.sync_copy(zero_v.at[pl.ds(0, rem)],
                    acc.at[pl.ds(zbase + (_RPS // _ZR) * _ZR, rem)])
    pltpu.sync_copy(ones_v.at[pl.ds(0, rem)],
                    accd.at[pl.ds(zbase + (_RPS // _ZR) * _ZR, rem)])
    one16 = jnp.ones((16,), jnp.float32)
    for j in range(_CH // 16):
        ones_v[pl.ds(j * 16, 16)] = one16
    plsc.subcore_barrier()

    ebase = s * (_NCHP * _CH)
    base_node = c * _HALFC

    def step(j, _):
        off = ebase + j * _CH
        pltpu.sync_copy(src_hbm.at[pl.ds(off, _CH)], srcb.at[0])
        pltpu.sync_copy(dst_hbm.at[pl.ds(off, _CH)], dstb.at[0])
        for i in range(_CH // 16):
            d = dstb[0, pl.ds(i * 16, 16)] - base_node
            ok = (d >= 0) & (d < _HALFC)
            dlocb[0, pl.ds(i * 16, 16)] = jnp.where(ok, d, _HALFC)
        pltpu.async_copy(h_hbm.at[srcb.at[0]], rows_v.at[0], sem_g).wait()
        pltpu.sync_copy(rows_v.at[0], acc.at[dlocb.at[0]], add=True)
        pltpu.sync_copy(ones_v, accd.at[dlocb.at[0]], add=True)
        return 0
    lax.fori_loop(0, _NCHP, step, 0)
    plsc.subcore_barrier()

    pltpu.sync_copy(acc.at[pl.ds(zbase, _RPS)],
                    outh_hbm.at[c, pl.ds(zbase, _RPS)])
    pltpu.sync_copy(accd.at[pl.ds(zbase, _RPS)],
                    outd_hbm.at[c, pl.ds(zbase, _RPS)])


def _out_kernel(h_ref, lab_ref, ag_ref, deg_ref, wh_ref, bh_ref, wo_ref,
                bo_ref, out_ref):
    pid = pl.program_id(0)
    h = h_ref[...]
    labels = lab_ref[...]
    aggm = ag_ref[0] / jnp.maximum(deg_ref[0], 1.0)
    h2 = jax.nn.relu(jnp.dot(h + aggm, wh_ref[...],
                             preferred_element_type=jnp.float32) + bh_ref[...])
    pred = jnp.dot(h2, wo_ref[...],
                   preferred_element_type=jnp.float32) + bo_ref[...]
    row = pid * _BN + lax.broadcasted_iota(jnp.int32, (_BN, 1), 0)
    mask = (row < _N).astype(jnp.float32)
    ps = jnp.sum((pred - labels) ** 2 * mask).reshape(1, 1)

    @pl.when(pid == 0)
    def _():
        out_ref[...] = ps

    @pl.when(pid != 0)
    def _():
        out_ref[...] = out_ref[...] + ps


def kernel(graph_embeddings, target_labels, edge_index, node_graph_ids,
           W_proj, b_proj, time_table, W_in, b_in, W_h, b_h, W_out, b_out):
    rng = jax.random.key(42)
    k1, k2, k3 = jax.random.split(rng, 3)
    t_nodes = jax.random.randint(k1, (_N,), 0, _T)
    noise = jax.random.normal(k2, (_N, 1), dtype=jnp.float32)
    t_per_graph = jax.random.randint(k3, (_G,), 0, _T)

    sab, somab = _schedule()
    sched = jnp.stack([jnp.asarray(sab), jnp.asarray(somab)], axis=1)

    ids = node_graph_ids.astype(jnp.int32)
    src = edge_index[0].astype(jnp.int32)
    dst = edge_index[1].astype(jnp.int32)
    e = src.shape[0]

    tpg = jnp.pad(t_per_graph.astype(jnp.int32), (0, _GP - _G))[:, None]
    lab = jnp.pad(target_labels.astype(jnp.float32), (0, _GP - _G))[:, None]
    gpe = jnp.pad(graph_embeddings, ((0, _GP - _G), (0, 0)))

    cond_ext = pl.pallas_call(
        _cond_kernel,
        out_shape=jax.ShapeDtypeStruct((_GP, 80), jnp.float32),
    )(tpg, lab, gpe, W_proj, b_proj.reshape(1, _H), time_table)

    ids_p = jnp.pad(ids, (0, _N_PAD - _N), constant_values=_GP - 1)[:, None]
    t_p = jnp.pad(t_nodes.astype(jnp.int32), (0, _N_PAD - _N))[:, None]
    noise_p = jnp.pad(noise, ((0, _N_PAD - _N), (0, 0)))

    h_nodes, lab_nodes = pl.pallas_call(
        _h_kernel,
        grid=(_NB,),
        in_specs=[
            pl.BlockSpec((_BN, 1), lambda i: (i, 0)),
            pl.BlockSpec((_BN, 1), lambda i: (i, 0)),
            pl.BlockSpec((_BN, 1), lambda i: (i, 0)),
            pl.BlockSpec((_GP, 80), lambda i: (0, 0)),
            pl.BlockSpec((_T, 2), lambda i: (0, 0)),
            pl.BlockSpec((1, _H), lambda i: (0, 0)),
            pl.BlockSpec((1, _H), lambda i: (0, 0)),
        ],
        out_specs=[
            pl.BlockSpec((_BN, _H), lambda i: (i, 0)),
            pl.BlockSpec((_BN, 1), lambda i: (i, 0)),
        ],
        out_shape=[
            jax.ShapeDtypeStruct((_N_PAD, _H), jnp.float32),
            jax.ShapeDtypeStruct((_N_PAD, 1), jnp.float32),
        ],
    )(ids_p, t_p, noise_p, cond_ext, sched, W_in, b_in.reshape(1, _H))

    src_p = jnp.pad(src, (0, _E_PAD - e))
    dst_p = jnp.pad(dst, (0, _E_PAD - e), constant_values=_DUMP_DST)

    mesh = plsc.VectorSubcoreMesh(core_axis_name="c", subcore_axis_name="s")
    seg = functools.partial(
        pl.kernel,
        out_type=(
            jax.ShapeDtypeStruct((2, _ROWS, _H), jnp.float32),
            jax.ShapeDtypeStruct((2, _ROWS), jnp.float32),
        ),
        mesh=mesh,
        compiler_params=pltpu.CompilerParams(use_tc_tiling_on_sc=False),
        scratch_types=[
            pltpu.VMEM((2, _CH), jnp.int32),
            pltpu.VMEM((2, _CH), jnp.int32),
            pltpu.VMEM((2, _CH), jnp.int32),
            pltpu.VMEM((2, _CH, _H), jnp.float32),
            pltpu.VMEM((_ZR, _H), jnp.float32),
            pltpu.VMEM((_CH,), jnp.float32),
            pltpu.VMEM_SHARED((_ROWS, _H), jnp.float32),
            pltpu.VMEM_SHARED((_ROWS,), jnp.float32),
            pltpu.SemaphoreType.DMA,
            pltpu.SemaphoreType.DMA,
        ],
    )(_seg_kernel)
    aggh2, aggd2 = seg(h_nodes, src_p, dst_p)
    aggd2 = aggd2[:, :, None]

    total = pl.pallas_call(
        _out_kernel,
        grid=(_NB,),
        in_specs=[
            pl.BlockSpec((_BN, _H), lambda i: (i, 0)),
            pl.BlockSpec((_BN, 1), lambda i: (i, 0)),
            pl.BlockSpec((1, _BN, _H), lambda i: (i // 49, i % 49, 0)),
            pl.BlockSpec((1, _BN, 1), lambda i: (i // 49, i % 49, 0)),
            pl.BlockSpec((_H, _H), lambda i: (0, 0)),
            pl.BlockSpec((1, _H), lambda i: (0, 0)),
            pl.BlockSpec((_H, 1), lambda i: (0, 0)),
            pl.BlockSpec((1, 1), lambda i: (0, 0)),
        ],
        out_specs=pl.BlockSpec((1, 1), lambda i: (0, 0)),
        out_shape=jax.ShapeDtypeStruct((1, 1), jnp.float32),
    )(h_nodes, lab_nodes, aggh2, aggd2, W_h, b_h.reshape(1, _H),
      W_out, b_out.reshape(1, 1))

    return total[0, 0] / _N

# --- scband reference (transcript-rebuilt; emitter-appended) ---
"""Pipeline reference for scband-label-diffusion-classifier-39857296507350 (READ-ONLY COPY).

The authoritative reference and input builder live on the scoring server;
editing this copy changes nothing except your own understanding.
"""

import jax, jax.numpy as jnp
import numpy as np

T = 1000
ALPHA_L = 2.0


def setup_inputs(seed: int = 0) -> dict:
    key = jax.random.key(seed)
    ks = jax.random.split(key, 16)
    N = 50000
    E = 800000
    G = 500
    D_EMB = 128
    H = 64
    graph_embeddings = jax.random.normal(ks[0], (G, D_EMB), dtype=jnp.float32)
    target_labels = jax.random.normal(ks[1], (G,), dtype=jnp.float32)
    edge_index = jax.random.randint(ks[2], (2, E), 0, N, dtype=jnp.int64)
    node_graph_ids = jnp.sort(jax.random.randint(ks[3], (N,), 0, G, dtype=jnp.int64))
    # learned parameters
    W_proj = jax.random.normal(ks[4], (D_EMB, H), dtype=jnp.float32) * 0.02
    b_proj = jnp.zeros((H,), dtype=jnp.float32)
    time_table = jax.random.normal(ks[5], (T, H), dtype=jnp.float32) * 0.02
    W_in = jax.random.normal(ks[6], (1, H), dtype=jnp.float32) * 0.02
    b_in = jnp.zeros((H,), dtype=jnp.float32)
    W_h = jax.random.normal(ks[7], (H, H), dtype=jnp.float32) * 0.02
    b_h = jnp.zeros((H,), dtype=jnp.float32)
    W_out = jax.random.normal(ks[8], (H, 1), dtype=jnp.float32) * 0.02
    b_out = jnp.zeros((1,), dtype=jnp.float32)
    return {
        'graph_embeddings': graph_embeddings,
        'target_labels': target_labels,
        'edge_index': edge_index,
        'node_graph_ids': node_graph_ids,
        'W_proj': W_proj, 'b_proj': b_proj,
        'time_table': time_table,
        'W_in': W_in, 'b_in': b_in,
        'W_h': W_h, 'b_h': b_h,
        'W_out': W_out, 'b_out': b_out,
    }


def _diffusion_schedule():
    betas = np.linspace(1e-4, 0.02, T, dtype=np.float64)
    alphas = 1.0 - betas
    alphas_bar = np.cumprod(alphas)
    sqrt_ab = jnp.asarray(np.sqrt(alphas_bar), dtype=jnp.float32)
    sqrt_omab = jnp.asarray(np.sqrt(1.0 - alphas_bar), dtype=jnp.float32)
    return sqrt_ab, sqrt_omab


def reference(graph_embeddings, target_labels, edge_index, node_graph_ids,
              W_proj, b_proj, time_table, W_in, b_in, W_h, b_h, W_out, b_out):
    N = node_graph_ids.shape[0]
    G = graph_embeddings.shape[0]
    sqrt_ab, sqrt_omab = _diffusion_schedule()
    rng = jax.random.key(42)
    k1, k2, k3 = jax.random.split(rng, 3)
    # broadcast_nodes: per-graph labels -> per-node labels via gather on segment ids
    labels_as_nodes = target_labels.reshape(-1, 1)[node_graph_ids].reshape(N, 1)
    t_nodes = jax.random.randint(k1, (N,), 0, T)
    noise = jax.random.normal(k2, (N, 1), dtype=jnp.float32)
    # extract(v, t, x_shape): gather schedule coefficients per node
    coef_a = jnp.take(sqrt_ab, t_nodes, axis=0).reshape(N, 1)
    coef_b = jnp.take(sqrt_omab, t_nodes, axis=0).reshape(N, 1)
    noisy_labels_as_nodes = coef_a * labels_as_nodes + coef_b * noise
    t_per_graph = jax.random.randint(k3, (G,), 0, T)
    time_embed = jnp.take(time_table, t_per_graph, axis=0)
    embedding_proj = graph_embeddings @ W_proj + b_proj
    conditioning_per_graph = time_embed + embedding_proj
    conditioning_nodes = conditioning_per_graph[node_graph_ids]
    # ddm.net: conditioned GNN denoiser (one mean-aggregation message passing layer)
    h = noisy_labels_as_nodes @ W_in + b_in + conditioning_nodes
    h = jax.nn.relu(h)
    src = edge_index[0]
    dst = edge_index[1]
    msg = h[src]
    agg = jax.ops.segment_sum(msg, dst, num_segments=N)
    deg = jax.ops.segment_sum(jnp.ones((src.shape[0],), dtype=jnp.float32), dst, num_segments=N)
    agg = agg / jnp.maximum(deg, 1.0)[:, None]
    h2 = jax.nn.relu((h + agg) @ W_h + b_h)
    predicted_x0_nodes = h2 @ W_out + b_out
    # loss_fn(pred, target, alpha): mean |pred - target|^alpha (alpha_l = 2 -> MSE)
    loss = jnp.mean(jnp.abs(predicted_x0_nodes - labels_as_nodes) ** ALPHA_L)
    return loss

if __name__ == "__main__":
    import jax
    _d = setup_inputs()
    print(jax.jit(kernel)(*tuple(_d.values())))

</pallas_src>

<mosaic_0001>
#map = affine_map<(d0, d1) -> (0, 0)>
#map1 = affine_map<(d0, d1) -> (0)>
#map2 = affine_map<(d0, d1) -> (0, 0, 0)>
module attributes {stable_mosaic.version = 14 : i64} {
  func.func @_seg_kernel(%arg0: i32, %arg1: i32, %arg2: memref<50176x64xf32, #tpu.memory_space<hbm>>, %arg3: memref<823296xi32, #tpu.memory_space<hbm>>, %arg4: memref<823296xi32, #tpu.memory_space<hbm>>, %arg5: memref<2x25216x64xf32, #tpu.memory_space<hbm>>, %arg6: memref<2x25216xf32, #tpu.memory_space<hbm>>, %arg7: memref<2x128xi32, #tpu.memory_space<vmem>>, %arg8: memref<2x128xi32, #tpu.memory_space<vmem>>, %arg9: memref<2x128xi32, #tpu.memory_space<vmem>>, %arg10: memref<2x128x64xf32, #tpu.memory_space<vmem>>, %arg11: memref<64x64xf32, #tpu.memory_space<vmem>>, %arg12: memref<128xf32, #tpu.memory_space<vmem>>, %arg13: memref<25216x64xf32, #tpu.memory_space<vmem_shared>>, %arg14: memref<25216xf32, #tpu.memory_space<vmem_shared>>, %arg15: memref<!tpu.dma_semaphore, #tpu.memory_space<semaphore_mem>>, %arg16: memref<!tpu.dma_semaphore, #tpu.memory_space<semaphore_mem>>) attributes {dimension_semantics = [#tpu.dimension_semantics<core_parallel>, #tpu.dimension_semantics<subcore_parallel>], iteration_bounds = array<i64: 2, 16>, scalar_prefetch = 0 : i64, scratch_operands = 10 : i64, tpu.core_type = #tpu.core_type<sc_vector_subcore>, window_params = [{transform_indices = #map}, {transform_indices = #map1}, {transform_indices = #map1}, {transform_indices = #map2}, {transform_indices = #map}]} {
    %broadcast_in_dim3A = arith.constant 0.000000e+00 : f32
    %broadcast_in_dim3A_0 = vector.broadcast %broadcast_in_dim3A : f32 to vector<16xf32>
    %scan3A = arith.constant 0 : i32
    %scan3A_1 = arith.constant 0 : i32
    %scan3A_2 = arith.constant 64 : i32
    %scan3A_3 = arith.addi %scan3A_1, %scan3A_2 : i32
    %scan3A_4 = arith.constant 1 : i32
    %scan3A_5 = scf.for %scan3A_95 = %scan3A_1 to %scan3A_3 step %scan3A_4 iter_args(%scan3A_96 = %scan3A) -> (i32)  : i32 {
      %swap3A_97 = arith.index_cast %scan3A_95 : i32 to index
      %swap3A_98 = arith.constant 0 : index
      %swap3A_99 = tpu.vector_load %arg11[%swap3A_97, %swap3A_98] {strides = array<i32>} : memref<64x64xf32, #tpu.memory_space<vmem>>, vector<1x16xf32>,
      %swap3A_100 = vector.shape_cast %swap3A_99 : vector<1x16xf32> to vector<16xf32>
      %swap3A_101 = vector.shape_cast %broadcast_in_dim3A_0 : vector<16xf32> to vector<1x16xf32>
      tpu.vector_store %arg11[%swap3A_97, %swap3A_98], %swap3A_101 {strides = array<i32>} : memref<64x64xf32, #tpu.memory_space<vmem>>, vector<1x16xf32>,
      %swap3A_102 = arith.index_cast %scan3A_95 : i32 to index
      %swap3A_103 = arith.constant 16 : index
      %swap3A_104 = tpu.vector_load %arg11[%swap3A_102, %swap3A_103] {strides = array<i32>} : memref<64x64xf32, #tpu.memory_space<vmem>>, vector<1x16xf32>,
      %swap3A_105 = vector.shape_cast %swap3A_104 : vector<1x16xf32> to vector<16xf32>
      %swap3A_106 = vector.shape_cast %broadcast_in_dim3A_0 : vector<16xf32> to vector<1x16xf32>
      tpu.vector_store %arg11[%swap3A_102, %swap3A_103], %swap3A_106 {strides = array<i32>} : memref<64x64xf32, #tpu.memory_space<vmem>>, vector<1x16xf32>,
      %swap3A_107 = arith.index_cast %scan3A_95 : i32 to index
      %swap3A_108 = arith.constant 32 : index
      %swap3A_109 = tpu.vector_load %arg11[%swap3A_107, %swap3A_108] {strides = array<i32>} : memref<64x64xf32, #tpu.memory_space<vmem>>, vector<1x16xf32>,
      %swap3A_110 = vector.shape_cast %swap3A_109 : vector<1x16xf32> to vector<16xf32>
      %swap3A_111 = vector.shape_cast %broadcast_in_dim3A_0 : vector<16xf32> to vector<1x16xf32>
      tpu.vector_store %arg11[%swap3A_107, %swap3A_108], %swap3A_111 {strides = array<i32>} : memref<64x64xf32, #tpu.memory_space<vmem>>, vector<1x16xf32>,
      %swap3A_112 = arith.index_cast %scan3A_95 : i32 to index
      %swap3A_113 = arith.constant 48 : index
      %swap3A_114 = tpu.vector_load %arg11[%swap3A_112, %swap3A_113] {strides = array<i32>} : memref<64x64xf32, #tpu.memory_space<vmem>>, vector<1x16xf32>,
      %swap3A_115 = vector.shape_cast %swap3A_114 : vector<1x16xf32> to vector<16xf32>
      %swap3A_116 = vector.shape_cast %broadcast_in_dim3A_0 : vector<16xf32> to vector<1x16xf32>
      tpu.vector_store %arg11[%swap3A_112, %swap3A_113], %swap3A_116 {strides = array<i32>} : memref<64x64xf32, #tpu.memory_space<vmem>>, vector<1x16xf32>,
      %scan3A_117 = arith.constant 0 : i32
      scf.yield %scan3A_117 : i32
    }
    %scan3A_6 = arith.constant 64 : i32
    %swap3A = arith.constant 0 : index
    %swap3A_7 = tpu.vector_load %arg12[%swap3A] {strides = array<i32>} : memref<128xf32, #tpu.memory_space<vmem>>, vector<16xf32>,
    %swap3A_8 = vector.shape_cast %swap3A_7 : vector<16xf32> to vector<16xf32>
    %swap3A_9 = vector.shape_cast %broadcast_in_dim3A_0 : vector<16xf32> to vector<16xf32>
    tpu.vector_store %arg12[%swap3A], %swap3A_9 {strides = array<i32>} : memref<128xf32, #tpu.memory_space<vmem>>, vector<16xf32>,
    %swap3A_10 = arith.constant 16 : index
    %swap3A_11 = tpu.vector_load %arg12[%swap3A_10] {strides = array<i32>} : memref<128xf32, #tpu.memory_space<vmem>>, vector<16xf32>,
    %swap3A_12 = vector.shape_cast %swap3A_11 : vector<16xf32> to vector<16xf32>
    %swap3A_13 = vector.shape_cast %broadcast_in_dim3A_0 : vector<16xf32> to vector<16xf32>
    tpu.vector_store %arg12[%swap3A_10], %swap3A_13 {strides = array<i32>} : memref<128xf32, #tpu.memory_space<vmem>>, vector<16xf32>,
    %swap3A_14 = arith.constant 32 : index
    %swap3A_15 = tpu.vector_load %arg12[%swap3A_14] {strides = array<i32>} : memref<128xf32, #tpu.memory_space<vmem>>, vector<16xf32>,
    %swap3A_16 = vector.shape_cast %swap3A_15 : vector<16xf32> to vector<16xf32>
    %swap3A_17 = vector.shape_cast %broadcast_in_dim3A_0 : vector<16xf32> to vector<16xf32>
    tpu.vector_store %arg12[%swap3A_14], %swap3A_17 {strides = array<i32>} : memref<128xf32, #tpu.memory_space<vmem>>, vector<16xf32>,
    %swap3A_18 = arith.constant 48 : index
    %swap3A_19 = tpu.vector_load %arg12[%swap3A_18] {strides = array<i32>} : memref<128xf32, #tpu.memory_space<vmem>>, vector<16xf32>,
    %swap3A_20 = vector.shape_cast %swap3A_19 : vector<16xf32> to vector<16xf32>
    %swap3A_21 = vector.shape_cast %broadcast_in_dim3A_0 : vector<16xf32> to vector<16xf32>
    tpu.vector_store %arg12[%swap3A_18], %swap3A_21 {strides = array<i32>} : memref<128xf32, #tpu.memory_space<vmem>>, vector<16xf32>,
    %swap3A_22 = arith.constant 64 : index
    %swap3A_23 = tpu.vector_load %arg12[%swap3A_22] {strides = array<i32>} : memref<128xf32, #tpu.memory_space<vmem>>, vector<16xf32>,
    %swap3A_24 = vector.shape_cast %swap3A_23 : vector<16xf32> to vector<16xf32>
    %swap3A_25 = vector.shape_cast %broadcast_in_dim3A_0 : vector<16xf32> to vector<16xf32>
    tpu.vector_store %arg12[%swap3A_22], %swap3A_25 {strides = array<i32>} : memref<128xf32, #tpu.memory_space<vmem>>, vector<16xf32>,
    %swap3A_26 = arith.constant 80 : index
    %swap3A_27 = tpu.vector_load %arg12[%swap3A_26] {strides = array<i32>} : memref<128xf32, #tpu.memory_space<vmem>>, vector<16xf32>,
    %swap3A_28 = vector.shape_cast %swap3A_27 : vector<16xf32> to vector<16xf32>
    %swap3A_29 = vector.shape_cast %broadcast_in_dim3A_0 : vector<16xf32> to vector<16xf32>
    tpu.vector_store %arg12[%swap3A_26], %swap3A_29 {strides = array<i32>} : memref<128xf32, #tpu.memory_space<vmem>>, vector<16xf32>,
    %swap3A_30 = arith.constant 96 : index
    %swap3A_31 = tpu.vector_load %arg12[%swap3A_30] {strides = array<i32>} : memref<128xf32, #tpu.memory_space<vmem>>, vector<16xf32>,
    %swap3A_32 = vector.shape_cast %swap3A_31 : vector<16xf32> to vector<16xf32>
    %swap3A_33 = vector.shape_cast %broadcast_in_dim3A_0 : vector<16xf32> to vector<16xf32>
    tpu.vector_store %arg12[%swap3A_30], %swap3A_33 {strides = array<i32>} : memref<128xf32, #tpu.memory_space<vmem>>, vector<16xf32>,
    %swap3A_34 = arith.constant 112 : index
    %swap3A_35 = tpu.vector_load %arg12[%swap3A_34] {strides = array<i32>} : memref<128xf32, #tpu.memory_space<vmem>>, vector<16xf32>,
    %swap3A_36 = vector.shape_cast %swap3A_35 : vector<16xf32> to vector<16xf32>
    %swap3A_37 = vector.shape_cast %broadcast_in_dim3A_0 : vector<16xf32> to vector<16xf32>
    tpu.vector_store %arg12[%swap3A_34], %swap3A_37 {strides = array<i32>} : memref<128xf32, #tpu.memory_space<vmem>>, vector<16xf32>,
    %mul3A = arith.constant 1576 : i32
    %mul3A_38 = arith.muli %arg1, %mul3A : i32
    %scan3A_39 = arith.constant 0 : i32
    %scan3A_40 = arith.constant 0 : i32
    %scan3A_41 = arith.constant 24 : i32
    %scan3A_42 = arith.addi %scan3A_40, %scan3A_41 : i32
    %scan3A_43 = arith.constant 1 : i32
    %scan3A_44 = scf.for %scan3A_95 = %scan3A_40 to %scan3A_42 step %scan3A_43 iter_args(%scan3A_96 = %scan3A_39) -> (i32)  : i32 {
      %mul3A_97 = arith.constant 64 : i32
      %mul3A_98 = arith.muli %scan3A_95, %mul3A_97 : i32
      %add3A_99 = arith.addi %mul3A_38, %mul3A_98 : i32
      "tpu.region"() ({
        %run_scoped3A = tpu.sem_alloc : memref<!tpu.dma_semaphore, #tpu.memory_space<semaphore_mem>>
        %dma_start3A = arith.constant 0 : i32
        %dma_start3A_104 = tpu.memref_slice %arg13[%add3A_99, %dma_start3A] : memref<25216x64xf32, #tpu.memory_space<vmem_shared>> -> memref<64x64xf32, #tpu.memory_space<vmem_shared>>
        %dma_start3A_105 = arith.constant 0 : i32
        %dma_start3A_106 = tpu.memref_slice %arg13[%add3A_99, %dma_start3A_105] : memref<25216x64xf32, #tpu.memory_space<vmem_shared>> -> memref<64x64xf32, #tpu.memory_space<vmem_shared>>
        tpu.enqueue_dma source(%arg11 : memref<64x64xf32, #tpu.memory_space<vmem>>) target(%dma_start3A_106 : memref<64x64xf32, #tpu.memory_space<vmem_shared>>) target_semaphore(%run_scoped3A : memref<!tpu.dma_semaphore, #tpu.memory_space<semaphore_mem>>)
        %dma_wait3A = arith.constant 0 : i32
        %dma_wait3A_107 = tpu.memref_slice %arg13[%add3A_99, %dma_wait3A] : memref<25216x64xf32, #tpu.memory_space<vmem_shared>> -> memref<64x64xf32, #tpu.memory_space<vmem_shared>>
        %dma_wait3A_108 = arith.constant 0 : i32
        %dma_wait3A_109 = tpu.memref_slice %arg13[%add3A_99, %dma_wait3A_108] : memref<25216x64xf32, #tpu.memory_space<vmem_shared>> -> memref<64x64xf32, #tpu.memory_space<vmem_shared>>
        tpu.wait_dma2 semaphore(%run_scoped3A : memref<!tpu.dma_semaphore, #tpu.memory_space<semaphore_mem>>) src(%arg11 : memref<64x64xf32, #tpu.memory_space<vmem>>) dst(%dma_wait3A_109 : memref<64x64xf32, #tpu.memory_space<vmem_shared>>)
        tpu.yield
      }) : () -> ()
      %mul3A_100 = arith.constant 64 : i32
      %mul3A_101 = arith.muli %scan3A_95, %mul3A_100 : i32
      %add3A_102 = arith.addi %mul3A_38, %mul3A_101 : i32
      "tpu.region"() ({
        %run_scoped3A = tpu.sem_alloc : memref<!tpu.dma_semaphore, #tpu.memory_space<semaphore_mem>>
        %dma_start3A = arith.constant 0 : i32
        %dma_start3A_104 = tpu.memref_slice %arg12[%dma_start3A] : memref<128xf32, #tpu.memory_space<vmem>> -> memref<64xf32, #tpu.memory_space<vmem>>
        %dma_start3A_105 = tpu.memref_slice %arg14[%add3A_102] : memref<25216xf32, #tpu.memory_space<vmem_shared>> -> memref<64xf32, #tpu.memory_space<vmem_shared>>
        %dma_start3A_106 = tpu.memref_slice %arg14[%add3A_102] : memref<25216xf32, #tpu.memory_space<vmem_shared>> -> memref<64xf32, #tpu.memory_space<vmem_shared>>
        %dma_start3A_107 = arith.constant 0 : i32
        %dma_start3A_108 = tpu.memref_slice %arg12[%dma_start3A_107] : memref<128xf32, #tpu.memory_space<vmem>> -> memref<64xf32, #tpu.memory_space<vmem>>
        tpu.enqueue_dma source(%dma_start3A_108 : memref<64xf32, #tpu.memory_space<vmem>>) target(%dma_start3A_106 : memref<64xf32, #tpu.memory_space<vmem_shared>>) target_semaphore(%run_scoped3A : memref<!tpu.dma_semaphore, #tpu.memory_space<semaphore_mem>>)
        %dma_wait3A = arith.constant 0 : i32
        %dma_wait3A_109 = tpu.memref_slice %arg12[%dma_wait3A] : memref<128xf32, #tpu.memory_space<vmem>> -> memref<64xf32, #tpu.memory_space<vmem>>
        %dma_wait3A_110 = tpu.memref_slice %arg14[%add3A_102] : memref<25216xf32, #tpu.memory_space<vmem_shared>> -> memref<64xf32, #tpu.memory_space<vmem_shared>>
        %dma_wait3A_111 = tpu.memref_slice %arg14[%add3A_102] : memref<25216xf32, #tpu.memory_space<vmem_shared>> -> memref<64xf32, #tpu.memory_space<vmem_shared>>
        %dma_wait3A_112 = arith.constant 0 : i32
        %dma_wait3A_113 = tpu.memref_slice %arg12[%dma_wait3A_112] : memref<128xf32, #tpu.memory_space<vmem>> -> memref<64xf32, #tpu.memory_space<vmem>>
        tpu.wait_dma2 semaphore(%run_scoped3A : memref<!tpu.dma_semaphore, #tpu.memory_space<semaphore_mem>>) src(%dma_wait3A_113 : memref<64xf32, #tpu.memory_space<vmem>>) dst(%dma_wait3A_111 : memref<64xf32, #tpu.memory_space<vmem_shared>>)
        tpu.yield
      }) : () -> ()
      %scan3A_103 = arith.constant 0 : i32
      scf.yield %scan3A_103 : i32
    }
    %scan3A_45 = arith.constant 24 : i32
    %add3A = arith.constant 1536 : i32
    %add3A_46 = arith.addi %mul3A_38, %add3A : i32
    "tpu.region"() ({
      %run_scoped3A = tpu.sem_alloc : memref<!tpu.dma_semaphore, #tpu.memory_space<semaphore_mem>>
      %dma_start3A = arith.constant 0 : i32
      %dma_start3A_95 = arith.constant 0 : i32
      %dma_start3A_96 = tpu.memref_slice %arg11[%dma_start3A, %dma_start3A_95] : memref<64x64xf32, #tpu.memory_space<vmem>> -> memref<40x64xf32, #tpu.memory_space<vmem>>
      %dma_start3A_97 = arith.constant 0 : i32
      %dma_start3A_98 = tpu.memref_slice %arg13[%add3A_46, %dma_start3A_97] : memref<25216x64xf32, #tpu.memory_space<vmem_shared>> -> memref<40x64xf32, #tpu.memory_space<vmem_shared>>
      %dma_start3A_99 = arith.constant 0 : i32
      %dma_start3A_100 = tpu.memref_slice %arg13[%add3A_46, %dma_start3A_99] : memref<25216x64xf32, #tpu.memory_space<vmem_shared>> -> memref<40x64xf32, #tpu.memory_space<vmem_shared>>
      %dma_start3A_101 = arith.constant 0 : i32
      %dma_start3A_102 = arith.constant 0 : i32
      %dma_start3A_103 = tpu.memref_slice %arg11[%dma_start3A_101, %dma_start3A_102] : memref<64x64xf32, #tpu.memory_space<vmem>> -> memref<40x64xf32, #tpu.memory_space<vmem>>
      tpu.enqueue_dma source(%dma_start3A_103 : memref<40x64xf32, #tpu.memory_space<vmem>>) target(%dma_start3A_100 : memref<40x64xf32, #tpu.memory_space<vmem_shared>>) target_semaphore(%run_scoped3A : memref<!tpu.dma_semaphore, #tpu.memory_space<semaphore_mem>>)
      %dma_wait3A = arith.constant 0 : i32
      %dma_wait3A_104 = arith.constant 0 : i32
      %dma_wait3A_105 = tpu.memref_slice %arg11[%dma_wait3A, %dma_wait3A_104] : memref<64x64xf32, #tpu.memory_space<vmem>> -> memref<40x64xf32, #tpu.memory_space<vmem>>
      %dma_wait3A_106 = arith.constant 0 : i32
      %dma_wait3A_107 = tpu.memref_slice %arg13[%add3A_46, %dma_wait3A_106] : memref<25216x64xf32, #tpu.memory_space<vmem_shared>> -> memref<40x64xf32, #tpu.memory_space<vmem_shared>>
      %dma_wait3A_108 = arith.constant 0 : i32
      %dma_wait3A_109 = tpu.memref_slice %arg13[%add3A_46, %dma_wait3A_108] : memref<25216x64xf32, #tpu.memory_space<vmem_shared>> -> memref<40x64xf32, #tpu.memory_space<vmem_shared>>
      %dma_wait3A_110 = arith.constant 0 : i32
      %dma_wait3A_111 = arith.constant 0 : i32
      %dma_wait3A_112 = tpu.memref_slice %arg11[%dma_wait3A_110, %dma_wait3A_111] : memref<64x64xf32, #tpu.memory_space<vmem>> -> memref<40x64xf32, #tpu.memory_space<vmem>>
      tpu.wait_dma2 semaphore(%run_scoped3A : memref<!tpu.dma_semaphore, #tpu.memory_space<semaphore_mem>>) src(%dma_wait3A_112 : memref<40x64xf32, #tpu.memory_space<vmem>>) dst(%dma_wait3A_109 : memref<40x64xf32, #tpu.memory_space<vmem_shared>>)
      tpu.yield
    }) : () -> ()
    %add3A_47 = arith.constant 1536 : i32
    %add3A_48 = arith.addi %mul3A_38, %add3A_47 : i32
    "tpu.region"() ({
      %run_scoped3A = tpu.sem_alloc : memref<!tpu.dma_semaphore, #tpu.memory_space<semaphore_mem>>
      %dma_start3A = arith.constant 0 : i32
      %dma_start3A_95 = tpu.memref_slice %arg12[%dma_start3A] : memref<128xf32, #tpu.memory_space<vmem>> -> memref<40xf32, #tpu.memory_space<vmem>>
      %dma_start3A_96 = tpu.memref_slice %arg14[%add3A_48] : memref<25216xf32, #tpu.memory_space<vmem_shared>> -> memref<40xf32, #tpu.memory_space<vmem_shared>>
      %dma_start3A_97 = tpu.memref_slice %arg14[%add3A_48] : memref<25216xf32, #tpu.memory_space<vmem_shared>> -> memref<40xf32, #tpu.memory_space<vmem_shared>>
      %dma_start3A_98 = arith.constant 0 : i32
      %dma_start3A_99 = tpu.memref_slice %arg12[%dma_start3A_98] : memref<128xf32, #tpu.memory_space<vmem>> -> memref<40xf32, #tpu.memory_space<vmem>>
      tpu.enqueue_dma source(%dma_start3A_99 : memref<40xf32, #tpu.memory_space<vmem>>) target(%dma_start3A_97 : memref<40xf32, #tpu.memory_space<vmem_shared>>) target_semaphore(%run_scoped3A : memref<!tpu.dma_semaphore, #tpu.memory_space<semaphore_mem>>)
      %dma_wait3A = arith.constant 0 : i32
      %dma_wait3A_100 = tpu.memref_slice %arg12[%dma_wait3A] : memref<128xf32, #tpu.memory_space<vmem>> -> memref<40xf32, #tpu.memory_space<vmem>>
      %dma_wait3A_101 = tpu.memref_slice %arg14[%add3A_48] : memref<25216xf32, #tpu.memory_space<vmem_shared>> -> memref<40xf32, #tpu.memory_space<vmem_shared>>
      %dma_wait3A_102 = tpu.memref_slice %arg14[%add3A_48] : memref<25216xf32, #tpu.memory_space<vmem_shared>> -> memref<40xf32, #tpu.memory_space<vmem_shared>>
      %dma_wait3A_103 = arith.constant 0 : i32
      %dma_wait3A_104 = tpu.memref_slice %arg12[%dma_wait3A_103] : memref<128xf32, #tpu.memory_space<vmem>> -> memref<40xf32, #tpu.memory_space<vmem>>
      tpu.wait_dma2 semaphore(%run_scoped3A : memref<!tpu.dma_semaphore, #tpu.memory_space<semaphore_mem>>) src(%dma_wait3A_104 : memref<40xf32, #tpu.memory_space<vmem>>) dst(%dma_wait3A_102 : memref<40xf32, #tpu.memory_space<vmem_shared>>)
      tpu.yield
    }) : () -> ()
    %broadcast_in_dim3A_49 = arith.constant 1.000000e+00 : f32
    %broadcast_in_dim3A_50 = vector.broadcast %broadcast_in_dim3A_49 : f32 to vector<16xf32>
    %swap3A_51 = arith.constant 0 : index
    %swap3A_52 = tpu.vector_load %arg12[%swap3A_51] {strides = array<i32>} : memref<128xf32, #tpu.memory_space<vmem>>, vector<16xf32>,
    %swap3A_53 = vector.shape_cast %swap3A_52 : vector<16xf32> to vector<16xf32>
    %swap3A_54 = vector.shape_cast %broadcast_in_dim3A_50 : vector<16xf32> to vector<16xf32>
    tpu.vector_store %arg12[%swap3A_51], %swap3A_54 {strides = array<i32>} : memref<128xf32, #tpu.memory_space<vmem>>, vector<16xf32>,
    %swap3A_55 = arith.constant 16 : index
    %swap3A_56 = tpu.vector_load %arg12[%swap3A_55] {strides = array<i32>} : memref<128xf32, #tpu.memory_space<vmem>>, vector<16xf32>,
    %swap3A_57 = vector.shape_cast %swap3A_56 : vector<16xf32> to vector<16xf32>
    %swap3A_58 = vector.shape_cast %broadcast_in_dim3A_50 : vector<16xf32> to vector<16xf32>
    tpu.vector_store %arg12[%swap3A_55], %swap3A_58 {strides = array<i32>} : memref<128xf32, #tpu.memory_space<vmem>>, vector<16xf32>,
    %swap3A_59 = arith.constant 32 : index
    %swap3A_60 = tpu.vector_load %arg12[%swap3A_59] {strides = array<i32>} : memref<128xf32, #tpu.memory_space<vmem>>, vector<16xf32>,
    %swap3A_61 = vector.shape_cast %swap3A_60 : vector<16xf32> to vector<16xf32>
    %swap3A_62 = vector.shape_cast %broadcast_in_dim3A_50 : vector<16xf32> to vector<16xf32>
    tpu.vector_store %arg12[%swap3A_59], %swap3A_62 {strides = array<i32>} : memref<128xf32, #tpu.memory_space<vmem>>, vector<16xf32>,
    %swap3A_63 = arith.constant 48 : index
    %swap3A_64 = tpu.vector_load %arg12[%swap3A_63] {strides = array<i32>} : memref<128xf32, #tpu.memory_space<vmem>>, vector<16xf32>,
    %swap3A_65 = vector.shape_cast %swap3A_64 : vector<16xf32> to vector<16xf32>
    %swap3A_66 = vector.shape_cast %broadcast_in_dim3A_50 : vector<16xf32> to vector<16xf32>
    tpu.vector_store %arg12[%swap3A_63], %swap3A_66 {strides = array<i32>} : memref<128xf32, #tpu.memory_space<vmem>>, vector<16xf32>,
    %swap3A_67 = arith.constant 64 : index
    %swap3A_68 = tpu.vector_load %arg12[%swap3A_67] {strides = array<i32>} : memref<128xf32, #tpu.memory_space<vmem>>, vector<16xf32>,
    %swap3A_69 = vector.shape_cast %swap3A_68 : vector<16xf32> to vector<16xf32>
    %swap3A_70 = vector.shape_cast %broadcast_in_dim3A_50 : vector<16xf32> to vector<16xf32>
    tpu.vector_store %arg12[%swap3A_67], %swap3A_70 {strides = array<i32>} : memref<128xf32, #tpu.memory_space<vmem>>, vector<16xf32>,
    %swap3A_71 = arith.constant 80 : index
    %swap3A_72 = tpu.vector_load %arg12[%swap3A_71] {strides = array<i32>} : memref<128xf32, #tpu.memory_space<vmem>>, vector<16xf32>,
    %swap3A_73 = vector.shape_cast %swap3A_72 : vector<16xf32> to vector<16xf32>
    %swap3A_74 = vector.shape_cast %broadcast_in_dim3A_50 : vector<16xf32> to vector<16xf32>
    tpu.vector_store %arg12[%swap3A_71], %swap3A_74 {strides = array<i32>} : memref<128xf32, #tpu.memory_space<vmem>>, vector<16xf32>,
    %swap3A_75 = arith.constant 96 : index
    %swap3A_76 = tpu.vector_load %arg12[%swap3A_75] {strides = array<i32>} : memref<128xf32, #tpu.memory_space<vmem>>, vector<16xf32>,
    %swap3A_77 = vector.shape_cast %swap3A_76 : vector<16xf32> to vector<16xf32>
    %swap3A_78 = vector.shape_cast %broadcast_in_dim3A_50 : vector<16xf32> to vector<16xf32>
    tpu.vector_store %arg12[%swap3A_75], %swap3A_78 {strides = array<i32>} : memref<128xf32, #tpu.memory_space<vmem>>, vector<16xf32>,
    %swap3A_79 = arith.constant 112 : index
    %swap3A_80 = tpu.vector_load %arg12[%swap3A_79] {strides = array<i32>} : memref<128xf32, #tpu.memory_space<vmem>>, vector<16xf32>,
    %swap3A_81 = vector.shape_cast %swap3A_80 : vector<16xf32> to vector<16xf32>
    %swap3A_82 = vector.shape_cast %broadcast_in_dim3A_50 : vector<16xf32> to vector<16xf32>
    tpu.vector_store %arg12[%swap3A_79], %swap3A_82 {strides = array<i32>} : memref<128xf32, #tpu.memory_space<vmem>>, vector<16xf32>,
    %barrier3A = arith.constant 0 : index
    tpu.barrier barrier_id(%barrier3A)
    %mul3A_83 = arith.constant 51456 : i32
    %mul3A_84 = arith.muli %arg1, %mul3A_83 : i32
    %mul3A_85 = arith.constant 25088 : i32
    %mul3A_86 = arith.muli %arg0, %mul3A_85 : i32
    %scan3A_87 = arith.constant 0 : i32
    %scan3A_88 = arith.constant 0 : i32
    %scan3A_89 = arith.constant 402 : i32
    %scan3A_90 = arith.addi %scan3A_88, %scan3A_89 : i32
    %scan3A_91 = arith.constant 1 : i32
    %scan3A_92 = scf.for %scan3A_95 = %scan3A_88 to %scan3A_90 step %scan3A_91 iter_args(%scan3A_96 = %scan3A_87) -> (i32)  : i32 {
      %mul3A_97 = arith.constant 128 : i32
      %mul3A_98 = arith.muli %scan3A_95, %mul3A_97 : i32
      %add3A_99 = arith.addi %mul3A_84, %mul3A_98 : i32
      %run_scoped3A = arith.constant 0 : i32
      "tpu.region"() ({
        %run_scoped3A_304 = tpu.sem_alloc : memref<!tpu.dma_semaphore, #tpu.memory_space<semaphore_mem>>
        %dma_start3A_305 = arith.constant 0 : i32
        %dma_start3A_306 = tpu.memref_slice %arg7[%run_scoped3A, %dma_start3A_305] : memref<2x128xi32, #tpu.memory_space<vmem>> -> memref<1x128xi32, #tpu.memory_space<vmem>>
        %dma_start3A_307 = tpu.memref_squeeze %dma_start3A_306 : memref<1x128xi32, #tpu.memory_space<vmem>> -> memref<128xi32, #tpu.memory_space<vmem>>
        %dma_start3A_308 = tpu.memref_slice %arg3[%add3A_99] : memref<823296xi32, #tpu.memory_space<hbm>> -> memref<128xi32, #tpu.memory_space<hbm>>
        %dma_start3A_309 = arith.constant 0 : i32
        %dma_start3A_310 = tpu.memref_slice %arg7[%run_scoped3A, %dma_start3A_309] : memref<2x128xi32, #tpu.memory_space<vmem>> -> memref<1x128xi32, #tpu.memory_space<vmem>>
        %dma_start3A_311 = tpu.memref_squeeze %dma_start3A_310 : memref<1x128xi32, #tpu.memory_space<vmem>> -> memref<128xi32, #tpu.memory_space<vmem>>
        %dma_start3A_312 = tpu.memref_slice %arg3[%add3A_99] : memref<823296xi32, #tpu.memory_space<hbm>> -> memref<128xi32, #tpu.memory_space<hbm>>
        tpu.enqueue_dma source(%dma_start3A_312 : memref<128xi32, #tpu.memory_space<hbm>>) target(%dma_start3A_311 : memref<128xi32, #tpu.memory_space<vmem>>) target_semaphore(%run_scoped3A_304 : memref<!tpu.dma_semaphore, #tpu.memory_space<semaphore_mem>>)
        %dma_wait3A_313 = arith.constant 0 : i32
        %dma_wait3A_314 = tpu.memref_slice %arg7[%run_scoped3A, %dma_wait3A_313] : memref<2x128xi32, #tpu.memory_space<vmem>> -> memref<1x128xi32, #tpu.memory_space<vmem>>
        %dma_wait3A_315 = tpu.memref_squeeze %dma_wait3A_314 : memref<1x128xi32, #tpu.memory_space<vmem>> -> memref<128xi32, #tpu.memory_space<vmem>>
        %dma_wait3A_316 = tpu.memref_slice %arg3[%add3A_99] : memref<823296xi32, #tpu.memory_space<hbm>> -> memref<128xi32, #tpu.memory_space<hbm>>
        %dma_wait3A_317 = arith.constant 0 : i32
        %dma_wait3A_318 = tpu.memref_slice %arg7[%run_scoped3A, %dma_wait3A_317] : memref<2x128xi32, #tpu.memory_space<vmem>> -> memref<1x128xi32, #tpu.memory_space<vmem>>
        %dma_wait3A_319 = tpu.memref_squeeze %dma_wait3A_318 : memref<1x128xi32, #tpu.memory_space<vmem>> -> memref<128xi32, #tpu.memory_space<vmem>>
        %dma_wait3A_320 = tpu.memref_slice %arg3[%add3A_99] : memref<823296xi32, #tpu.memory_space<hbm>> -> memref<128xi32, #tpu.memory_space<hbm>>
        tpu.wait_dma2 semaphore(%run_scoped3A_304 : memref<!tpu.dma_semaphore, #tpu.memory_space<semaphore_mem>>) src(%dma_wait3A_320 : memref<128xi32, #tpu.memory_space<hbm>>) dst(%dma_wait3A_319 : memref<128xi32, #tpu.memory_space<vmem>>)
        tpu.yield
      }) : () -> ()
      %run_scoped3A_100 = arith.constant 0 : i32
      "tpu.region"() ({
        %run_scoped3A_304 = tpu.sem_alloc : memref<!tpu.dma_semaphore, #tpu.memory_space<semaphore_mem>>
        %dma_start3A_305 = arith.constant 0 : i32
        %dma_start3A_306 = tpu.memref_slice %arg8[%run_scoped3A_100, %dma_start3A_305] : memref<2x128xi32, #tpu.memory_space<vmem>> -> memref<1x128xi32, #tpu.memory_space<vmem>>
        %dma_start3A_307 = tpu.memref_squeeze %dma_start3A_306 : memref<1x128xi32, #tpu.memory_space<vmem>> -> memref<128xi32, #tpu.memory_space<vmem>>
        %dma_start3A_308 = tpu.memref_slice %arg4[%add3A_99] : memref<823296xi32, #tpu.memory_space<hbm>> -> memref<128xi32, #tpu.memory_space<hbm>>
        %dma_start3A_309 = arith.constant 0 : i32
        %dma_start3A_310 = tpu.memref_slice %arg8[%run_scoped3A_100, %dma_start3A_309] : memref<2x128xi32, #tpu.memory_space<vmem>> -> memref<1x128xi32, #tpu.memory_space<vmem>>
        %dma_start3A_311 = tpu.memref_squeeze %dma_start3A_310 : memref<1x128xi32, #tpu.memory_space<vmem>> -> memref<128xi32, #tpu.memory_space<vmem>>
        %dma_start3A_312 = tpu.memref_slice %arg4[%add3A_99] : memref<823296xi32, #tpu.memory_space<hbm>> -> memref<128xi32, #tpu.memory_space<hbm>>
        tpu.enqueue_dma source(%dma_start3A_312 : memref<128xi32, #tpu.memory_space<hbm>>) target(%dma_start3A_311 : memref<128xi32, #tpu.memory_space<vmem>>) target_semaphore(%run_scoped3A_304 : memref<!tpu.dma_semaphore, #tpu.memory_space<semaphore_mem>>)
        %dma_wait3A_313 = arith.constant 0 : i32
        %dma_wait3A_314 = tpu.memref_slice %arg8[%run_scoped3A_100, %dma_wait3A_313] : memref<2x128xi32, #tpu.memory_space<vmem>> -> memref<1x128xi32, #tpu.memory_space<vmem>>
        %dma_wait3A_315 = tpu.memref_squeeze %dma_wait3A_314 : memref<1x128xi32, #tpu.memory_space<vmem>> -> memref<128xi32, #tpu.memory_space<vmem>>
        %dma_wait3A_316 = tpu.memref_slice %arg4[%add3A_99] : memref<823296xi32, #tpu.memory_space<hbm>> -> memref<128xi32, #tpu.memory_space<hbm>>
        %dma_wait3A_317 = arith.constant 0 : i32
        %dma_wait3A_318 = tpu.memref_slice %arg8[%run_scoped3A_100, %dma_wait3A_317] : memref<2x128xi32, #tpu.memory_space<vmem>> -> memref<1x128xi32, #tpu.memory_space<vmem>>
        %dma_wait3A_319 = tpu.memref_squeeze %dma_wait3A_318 : memref<1x128xi32, #tpu.memory_space<vmem>> -> memref<128xi32, #tpu.memory_space<vmem>>
        %dma_wait3A_320 = tpu.memref_slice %arg4[%add3A_99] : memref<823296xi32, #tpu.memory_space<hbm>> -> memref<128xi32, #tpu.memory_space<hbm>>
        tpu.wait_dma2 semaphore(%run_scoped3A_304 : memref<!tpu.dma_semaphore, #tpu.memory_space<semaphore_mem>>) src(%dma_wait3A_320 : memref<128xi32, #tpu.memory_space<hbm>>) dst(%dma_wait3A_319 : memref<128xi32, #tpu.memory_space<vmem>>)
        tpu.yield
      }) : () -> ()
      %get3A = arith.constant 0 : i32
      %get3A_101 = arith.index_cast %get3A : i32 to index
      %get3A_102 = arith.constant 0 : index
      %get3A_103 = tpu.vector_load %arg8[%get3A_101, %get3A_102] {strides = array<i32>} : memref<2x128xi32, #tpu.memory_space<vmem>>, vector<1x16xi32>,
      %get3A_104 = vector.shape_cast %get3A_103 : vector<1x16xi32> to vector<16xi32>
      %sub3A = vector.broadcast %mul3A_86 : i32 to vector<16xi32>
      %sub3A_105 = arith.subi %get3A_104, %sub3A : vector<16xi32>
      %ge3A = arith.constant 0 : i32
      %ge3A_106 = vector.broadcast %ge3A : i32 to vector<16xi32>
      %ge3A_107 = arith.cmpi sge, %sub3A_105, %ge3A_106 : vector<16xi32>
      %lt3A = arith.constant 25088 : i32
      %lt3A_108 = vector.broadcast %lt3A : i32 to vector<16xi32>
      %lt3A_109 = arith.cmpi slt, %sub3A_105, %lt3A_108 : vector<16xi32>
      %and3A = arith.andi %ge3A_107, %lt3A_109 : vector<16xi1>
      %jit3A = arith.constant 25088 : i32
      %broadcast_in_dim3A_110 = vector.broadcast %jit3A : i32 to vector<16xi32>
      %select_n3A = arith.select %and3A, %sub3A_105, %broadcast_in_dim3A_110 : vector<16xi1>, vector<16xi32>
      %swap3A_111 = arith.constant 0 : i32
      %swap3A_112 = arith.index_cast %swap3A_111 : i32 to index
      %swap3A_113 = arith.constant 0 : index
      %swap3A_114 = tpu.vector_load %arg9[%swap3A_112, %swap3A_113] {strides = array<i32>} : memref<2x128xi32, #tpu.memory_space<vmem>>, vector<1x16xi32>,
      %swap3A_115 = vector.shape_cast %swap3A_114 : vector<1x16xi32> to vector<16xi32>
      %swap3A_116 = vector.shape_cast %select_n3A : vector<16xi32> to vector<1x16xi32>
      tpu.vector_store %arg9[%swap3A_112, %swap3A_113], %swap3A_116 {strides = array<i32>} : memref<2x128xi32, #tpu.memory_space<vmem>>, vector<1x16xi32>,
      %get3A_117 = arith.constant 0 : i32
      %get3A_118 = arith.index_cast %get3A_117 : i32 to index
      %get3A_119 = arith.constant 16 : index
      %get3A_120 = tpu.vector_load %arg8[%get3A_118, %get3A_119] {strides = array<i32>} : memref<2x128xi32, #tpu.memory_space<vmem>>, vector<1x16xi32>,
      %get3A_121 = vector.shape_cast %get3A_120 : vector<1x16xi32> to vector<16xi32>
      %sub3A_122 = vector.broadcast %mul3A_86 : i32 to vector<16xi32>
      %sub3A_123 = arith.subi %get3A_121, %sub3A_122 : vector<16xi32>
      %ge3A_124 = arith.constant 0 : i32
      %ge3A_125 = vector.broadcast %ge3A_124 : i32 to vector<16xi32>
      %ge3A_126 = arith.cmpi sge, %sub3A_123, %ge3A_125 : vector<16xi32>
      %lt3A_127 = arith.constant 25088 : i32
      %lt3A_128 = vector.broadcast %lt3A_127 : i32 to vector<16xi32>
      %lt3A_129 = arith.cmpi slt, %sub3A_123, %lt3A_128 : vector<16xi32>
      %and3A_130 = arith.andi %ge3A_126, %lt3A_129 : vector<16xi1>
      %jit3A_131 = arith.constant 25088 : i32
      %broadcast_in_dim3A_132 = vector.broadcast %jit3A_131 : i32 to vector<16xi32>
      %select_n3A_133 = arith.select %and3A_130, %sub3A_123, %broadcast_in_dim3A_132 : vector<16xi1>, vector<16xi32>
      %swap3A_134 = arith.constant 0 : i32
      %swap3A_135 = arith.index_cast %swap3A_134 : i32 to index
      %swap3A_136 = arith.constant 16 : index
      %swap3A_137 = tpu.vector_load %arg9[%swap3A_135, %swap3A_136] {strides = array<i32>} : memref<2x128xi32, #tpu.memory_space<vmem>>, vector<1x16xi32>,
      %swap3A_138 = vector.shape_cast %swap3A_137 : vector<1x16xi32> to vector<16xi32>
      %swap3A_139 = vector.shape_cast %select_n3A_133 : vector<16xi32> to vector<1x16xi32>
      tpu.vector_store %arg9[%swap3A_135, %swap3A_136], %swap3A_139 {strides = array<i32>} : memref<2x128xi32, #tpu.memory_space<vmem>>, vector<1x16xi32>,
      %get3A_140 = arith.constant 0 : i32
      %get3A_141 = arith.index_cast %get3A_140 : i32 to index
      %get3A_142 = arith.constant 32 : index
      %get3A_143 = tpu.vector_load %arg8[%get3A_141, %get3A_142] {strides = array<i32>} : memref<2x128xi32, #tpu.memory_space<vmem>>, vector<1x16xi32>,
      %get3A_144 = vector.shape_cast %get3A_143 : vector<1x16xi32> to vector<16xi32>
      %sub3A_145 = vector.broadcast %mul3A_86 : i32 to vector<16xi32>
      %sub3A_146 = arith.subi %get3A_144, %sub3A_145 : vector<16xi32>
      %ge3A_147 = arith.constant 0 : i32
      %ge3A_148 = vector.broadcast %ge3A_147 : i32 to vector<16xi32>
      %ge3A_149 = arith.cmpi sge, %sub3A_146, %ge3A_148 : vector<16xi32>
      %lt3A_150 = arith.constant 25088 : i32
      %lt3A_151 = vector.broadcast %lt3A_150 : i32 to vector<16xi32>
      %lt3A_152 = arith.cmpi slt, %sub3A_146, %lt3A_151 : vector<16xi32>
      %and3A_153 = arith.andi %ge3A_149, %lt3A_152 : vector<16xi1>
      %jit3A_154 = arith.constant 25088 : i32
      %broadcast_in_dim3A_155 = vector.broadcast %jit3A_154 : i32 to vector<16xi32>
      %select_n3A_156 = arith.select %and3A_153, %sub3A_146, %broadcast_in_dim3A_155 : vector<16xi1>, vector<16xi32>
      %swap3A_157 = arith.constant 0 : i32
      %swap3A_158 = arith.index_cast %swap3A_157 : i32 to index
      %swap3A_159 = arith.constant 32 : index
      %swap3A_160 = tpu.vector_load %arg9[%swap3A_158, %swap3A_159] {strides = array<i32>} : memref<2x128xi32, #tpu.memory_space<vmem>>, vector<1x16xi32>,
      %swap3A_161 = vector.shape_cast %swap3A_160 : vector<1x16xi32> to vector<16xi32>
      %swap3A_162 = vector.shape_cast %select_n3A_156 : vector<16xi32> to vector<1x16xi32>
      tpu.vector_store %arg9[%swap3A_158, %swap3A_159], %swap3A_162 {strides = array<i32>} : memref<2x128xi32, #tpu.memory_space<vmem>>, vector<1x16xi32>,
      %get3A_163 = arith.constant 0 : i32
      %get3A_164 = arith.index_cast %get3A_163 : i32 to index
      %get3A_165 = arith.constant 48 : index
      %get3A_166 = tpu.vector_load %arg8[%get3A_164, %get3A_165] {strides = array<i32>} : memref<2x128xi32, #tpu.memory_space<vmem>>, vector<1x16xi32>,
      %get3A_167 = vector.shape_cast %get3A_166 : vector<1x16xi32> to vector<16xi32>
      %sub3A_168 = vector.broadcast %mul3A_86 : i32 to vector<16xi32>
      %sub3A_169 = arith.subi %get3A_167, %sub3A_168 : vector<16xi32>
      %ge3A_170 = arith.constant 0 : i32
      %ge3A_171 = vector.broadcast %ge3A_170 : i32 to vector<16xi32>
      %ge3A_172 = arith.cmpi sge, %sub3A_169, %ge3A_171 : vector<16xi32>
      %lt3A_173 = arith.constant 25088 : i32
      %lt3A_174 = vector.broadcast %lt3A_173 : i32 to vector<16xi32>
      %lt3A_175 = arith.cmpi slt, %sub3A_169, %lt3A_174 : vector<16xi32>
      %and3A_176 = arith.andi %ge3A_172, %lt3A_175 : vector<16xi1>
      %jit3A_177 = arith.constant 25088 : i32
      %broadcast_in_dim3A_178 = vector.broadcast %jit3A_177 : i32 to vector<16xi32>
      %select_n3A_179 = arith.select %and3A_176, %sub3A_169, %broadcast_in_dim3A_178 : vector<16xi1>, vector<16xi32>
      %swap3A_180 = arith.constant 0 : i32
      %swap3A_181 = arith.index_cast %swap3A_180 : i32 to index
      %swap3A_182 = arith.constant 48 : index
      %swap3A_183 = tpu.vector_load %arg9[%swap3A_181, %swap3A_182] {strides = array<i32>} : memref<2x128xi32, #tpu.memory_space<vmem>>, vector<1x16xi32>,
      %swap3A_184 = vector.shape_cast %swap3A_183 : vector<1x16xi32> to vector<16xi32>
      %swap3A_185 = vector.shape_cast %select_n3A_179 : vector<16xi32> to vector<1x16xi32>
      tpu.vector_store %arg9[%swap3A_181, %swap3A_182], %swap3A_185 {strides = array<i32>} : memref<2x128xi32, #tpu.memory_space<vmem>>, vector<1x16xi32>,
      %get3A_186 = arith.constant 0 : i32
      %get3A_187 = arith.index_cast %get3A_186 : i32 to index
      %get3A_188 = arith.constant 64 : index
      %get3A_189 = tpu.vector_load %arg8[%get3A_187, %get3A_188] {strides = array<i32>} : memref<2x128xi32, #tpu.memory_space<vmem>>, vector<1x16xi32>,
      %get3A_190 = vector.shape_cast %get3A_189 : vector<1x16xi32> to vector<16xi32>
      %sub3A_191 = vector.broadcast %mul3A_86 : i32 to vector<16xi32>
      %sub3A_192 = arith.subi %get3A_190, %sub3A_191 : vector<16xi32>
      %ge3A_193 = arith.constant 0 : i32
      %ge3A_194 = vector.broadcast %ge3A_193 : i32 to vector<16xi32>
      %ge3A_195 = arith.cmpi sge, %sub3A_192, %ge3A_194 : vector<16xi32>
      %lt3A_196 = arith.constant 25088 : i32
      %lt3A_197 = vector.broadcast %lt3A_196 : i32 to vector<16xi32>
      %lt3A_198 = arith.cmpi slt, %sub3A_192, %lt3A_197 : vector<16xi32>
      %and3A_199 = arith.andi %ge3A_195, %lt3A_198 : vector<16xi1>
      %jit3A_200 = arith.constant 25088 : i32
      %broadcast_in_dim3A_201 = vector.broadcast %jit3A_200 : i32 to vector<16xi32>
      %select_n3A_202 = arith.select %and3A_199, %sub3A_192, %broadcast_in_dim3A_201 : vector<16xi1>, vector<16xi32>
      %swap3A_203 = arith.constant 0 : i32
      %swap3A_204 = arith.index_cast %swap3A_203 : i32 to index
      %swap3A_205 = arith.constant 64 : index
      %swap3A_206 = tpu.vector_load %arg9[%swap3A_204, %swap3A_205] {strides = array<i32>} : memref<2x128xi32, #tpu.memory_space<vmem>>, vector<1x16xi32>,
      %swap3A_207 = vector.shape_cast %swap3A_206 : vector<1x16xi32> to vector<16xi32>
      %swap3A_208 = vector.shape_cast %select_n3A_202 : vector<16xi32> to vector<1x16xi32>
      tpu.vector_store %arg9[%swap3A_204, %swap3A_205], %swap3A_208 {strides = array<i32>} : memref<2x128xi32, #tpu.memory_space<vmem>>, vector<1x16xi32>,
      %get3A_209 = arith.constant 0 : i32
      %get3A_210 = arith.index_cast %get3A_209 : i32 to index
      %get3A_211 = arith.constant 80 : index
      %get3A_212 = tpu.vector_load %arg8[%get3A_210, %get3A_211] {strides = array<i32>} : memref<2x128xi32, #tpu.memory_space<vmem>>, vector<1x16xi32>,
      %get3A_213 = vector.shape_cast %get3A_212 : vector<1x16xi32> to vector<16xi32>
      %sub3A_214 = vector.broadcast %mul3A_86 : i32 to vector<16xi32>
      %sub3A_215 = arith.subi %get3A_213, %sub3A_214 : vector<16xi32>
      %ge3A_216 = arith.constant 0 : i32
      %ge3A_217 = vector.broadcast %ge3A_216 : i32 to vector<16xi32>
      %ge3A_218 = arith.cmpi sge, %sub3A_215, %ge3A_217 : vector<16xi32>
      %lt3A_219 = arith.constant 25088 : i32
      %lt3A_220 = vector.broadcast %lt3A_219 : i32 to vector<16xi32>
      %lt3A_221 = arith.cmpi slt, %sub3A_215, %lt3A_220 : vector<16xi32>
      %and3A_222 = arith.andi %ge3A_218, %lt3A_221 : vector<16xi1>
      %jit3A_223 = arith.constant 25088 : i32
      %broadcast_in_dim3A_224 = vector.broadcast %jit3A_223 : i32 to vector<16xi32>
      %select_n3A_225 = arith.select %and3A_222, %sub3A_215, %broadcast_in_dim3A_224 : vector<16xi1>, vector<16xi32>
      %swap3A_226 = arith.constant 0 : i32
      %swap3A_227 = arith.index_cast %swap3A_226 : i32 to index
      %swap3A_228 = arith.constant 80 : index
      %swap3A_229 = tpu.vector_load %arg9[%swap3A_227, %swap3A_228] {strides = array<i32>} : memref<2x128xi32, #tpu.memory_space<vmem>>, vector<1x16xi32>,
      %swap3A_230 = vector.shape_cast %swap3A_229 : vector<1x16xi32> to vector<16xi32>
      %swap3A_231 = vector.shape_cast %select_n3A_225 : vector<16xi32> to vector<1x16xi32>
      tpu.vector_store %arg9[%swap3A_227, %swap3A_228], %swap3A_231 {strides = array<i32>} : memref<2x128xi32, #tpu.memory_space<vmem>>, vector<1x16xi32>,
      %get3A_232 = arith.constant 0 : i32
      %get3A_233 = arith.index_cast %get3A_232 : i32 to index
      %get3A_234 = arith.constant 96 : index
      %get3A_235 = tpu.vector_load %arg8[%get3A_233, %get3A_234] {strides = array<i32>} : memref<2x128xi32, #tpu.memory_space<vmem>>, vector<1x16xi32>,
      %get3A_236 = vector.shape_cast %get3A_235 : vector<1x16xi32> to vector<16xi32>
      %sub3A_237 = vector.broadcast %mul3A_86 : i32 to vector<16xi32>
      %sub3A_238 = arith.subi %get3A_236, %sub3A_237 : vector<16xi32>
      %ge3A_239 = arith.constant 0 : i32
      %ge3A_240 = vector.broadcast %ge3A_239 : i32 to vector<16xi32>
      %ge3A_241 = arith.cmpi sge, %sub3A_238, %ge3A_240 : vector<16xi32>
      %lt3A_242 = arith.constant 25088 : i32
      %lt3A_243 = vector.broadcast %lt3A_242 : i32 to vector<16xi32>
      %lt3A_244 = arith.cmpi slt, %sub3A_238, %lt3A_243 : vector<16xi32>
      %and3A_245 = arith.andi %ge3A_241, %lt3A_244 : vector<16xi1>
      %jit3A_246 = arith.constant 25088 : i32
      %broadcast_in_dim3A_247 = vector.broadcast %jit3A_246 : i32 to vector<16xi32>
      %select_n3A_248 = arith.select %and3A_245, %sub3A_238, %broadcast_in_dim3A_247 : vector<16xi1>, vector<16xi32>
      %swap3A_249 = arith.constant 0 : i32
      %swap3A_250 = arith.index_cast %swap3A_249 : i32 to index
      %swap3A_251 = arith.constant 96 : index
      %swap3A_252 = tpu.vector_load %arg9[%swap3A_250, %swap3A_251] {strides = array<i32>} : memref<2x128xi32, #tpu.memory_space<vmem>>, vector<1x16xi32>,
      %swap3A_253 = vector.shape_cast %swap3A_252 : vector<1x16xi32> to vector<16xi32>
      %swap3A_254 = vector.shape_cast %select_n3A_248 : vector<16xi32> to vector<1x16xi32>
      tpu.vector_store %arg9[%swap3A_250, %swap3A_251], %swap3A_254 {strides = array<i32>} : memref<2x128xi32, #tpu.memory_space<vmem>>, vector<1x16xi32>,
      %get3A_255 = arith.constant 0 : i32
      %get3A_256 = arith.index_cast %get3A_255 : i32 to index
      %get3A_257 = arith.constant 112 : index
      %get3A_258 = tpu.vector_load %arg8[%get3A_256, %get3A_257] {strides = array<i32>} : memref<2x128xi32, #tpu.memory_space<vmem>>, vector<1x16xi32>,
      %get3A_259 = vector.shape_cast %get3A_258 : vector<1x16xi32> to vector<16xi32>
      %sub3A_260 = vector.broadcast %mul3A_86 : i32 to vector<16xi32>
      %sub3A_261 = arith.subi %get3A_259, %sub3A_260 : vector<16xi32>
      %ge3A_262 = arith.constant 0 : i32
      %ge3A_263 = vector.broadcast %ge3A_262 : i32 to vector<16xi32>
      %ge3A_264 = arith.cmpi sge, %sub3A_261, %ge3A_263 : vector<16xi32>
      %lt3A_265 = arith.constant 25088 : i32
      %lt3A_266 = vector.broadcast %lt3A_265 : i32 to vector<16xi32>
      %lt3A_267 = arith.cmpi slt, %sub3A_261, %lt3A_266 : vector<16xi32>
      %and3A_268 = arith.andi %ge3A_264, %lt3A_267 : vector<16xi1>
      %jit3A_269 = arith.constant 25088 : i32
      %broadcast_in_dim3A_270 = vector.broadcast %jit3A_269 : i32 to vector<16xi32>
      %select_n3A_271 = arith.select %and3A_268, %sub3A_261, %broadcast_in_dim3A_270 : vector<16xi1>, vector<16xi32>
      %swap3A_272 = arith.constant 0 : i32
      %swap3A_273 = arith.index_cast %swap3A_272 : i32 to index
      %swap3A_274 = arith.constant 112 : index
      %swap3A_275 = tpu.vector_load %arg9[%swap3A_273, %swap3A_274] {strides = array<i32>} : memref<2x128xi32, #tpu.memory_space<vmem>>, vector<1x16xi32>,
      %swap3A_276 = vector.shape_cast %swap3A_275 : vector<1x16xi32> to vector<16xi32>
      %swap3A_277 = vector.shape_cast %select_n3A_271 : vector<16xi32> to vector<1x16xi32>
      tpu.vector_store %arg9[%swap3A_273, %swap3A_274], %swap3A_277 {strides = array<i32>} : memref<2x128xi32, #tpu.memory_space<vmem>>, vector<1x16xi32>,
      %dma_start3A = arith.constant 0 : i32
      %dma_start3A_278 = arith.constant 0 : i32
      %dma_start3A_279 = arith.constant 0 : i32
      %dma_start3A_280 = arith.constant 0 : i32
      %dma_start3A_281 = tpu.memref_slice %arg10[%dma_start3A_278, %dma_start3A_279, %dma_start3A_280] : memref<2x128x64xf32, #tpu.memory_space<vmem>> -> memref<1x128x64xf32, #tpu.memory_space<vmem>>
      %dma_start3A_282 = tpu.memref_squeeze %dma_start3A_281 : memref<1x128x64xf32, #tpu.memory_space<vmem>> -> memref<128x64xf32, #tpu.memory_space<vmem>>
      %dma_start3A_283 = arith.constant 0 : i32
      %dma_start3A_284 = tpu.memref_slice %arg7[%dma_start3A, %dma_start3A_283] : memref<2x128xi32, #tpu.memory_space<vmem>> -> memref<1x128xi32, #tpu.memory_space<vmem>>
      %dma_start3A_285 = tpu.memref_squeeze %dma_start3A_284 : memref<1x128xi32, #tpu.memory_space<vmem>> -> memref<128xi32, #tpu.memory_space<vmem>>
      %dma_start3A_286 = arith.constant 0 : i32
      %dma_start3A_287 = arith.constant 0 : i32
      %dma_start3A_288 = tpu.memref_slice %arg2[%dma_start3A_286, %dma_start3A_287] : memref<50176x64xf32, #tpu.memory_space<hbm>> -> memref<50176x64xf32, #tpu.memory_space<hbm>>
      tpu.enqueue_indirect_dma source(%dma_start3A_288 : memref<50176x64xf32, #tpu.memory_space<hbm>>) target(%dma_start3A_282 : memref<128x64xf32, #tpu.memory_space<vmem>>) offsets(%dma_start3A_285 : memref<128xi32, #tpu.memory_space<vmem>>) semaphore(%arg15 : memref<!tpu.dma_semaphore, #tpu.memory_space<semaphore_mem>>)
      %dma_wait3A = arith.constant 0 : i32
      %dma_wait3A_289 = arith.constant 0 : i32
      %dma_wait3A_290 = arith.constant 0 : i32
      %dma_wait3A_291 = arith.constant 0 : i32
      %dma_wait3A_292 = tpu.memref_slice %arg10[%dma_wait3A_289, %dma_wait3A_290, %dma_wait3A_291] : memref<2x128x64xf32, #tpu.memory_space<vmem>> -> memref<1x128x64xf32, #tpu.memory_space<vmem>>
      %dma_wait3A_293 = tpu.memref_squeeze %dma_wait3A_292 : memref<1x128x64xf32, #tpu.memory_space<vmem>> -> memref<128x64xf32, #tpu.memory_space<vmem>>
      %dma_wait3A_294 = arith.constant 0 : i32
      %dma_wait3A_295 = tpu.memref_slice %arg7[%dma_wait3A, %dma_wait3A_294] : memref<2x128xi32, #tpu.memory_space<vmem>> -> memref<1x128xi32, #tpu.memory_space<vmem>>
      %dma_wait3A_296 = tpu.memref_squeeze %dma_wait3A_295 : memref<1x128xi32, #tpu.memory_space<vmem>> -> memref<128xi32, #tpu.memory_space<vmem>>
      %dma_wait3A_297 = arith.constant 0 : i32
      %dma_wait3A_298 = arith.constant 0 : i32
      %dma_wait3A_299 = tpu.memref_slice %arg2[%dma_wait3A_297, %dma_wait3A_298] : memref<50176x64xf32, #tpu.memory_space<hbm>> -> memref<50176x64xf32, #tpu.memory_space<hbm>>
      tpu.wait_indirect_dma semaphore(%arg15 : memref<!tpu.dma_semaphore, #tpu.memory_space<semaphore_mem>>) src(%dma_wait3A_299 : memref<50176x64xf32, #tpu.memory_space<hbm>>) dst(%dma_wait3A_293 : memref<128x64xf32, #tpu.memory_space<vmem>>)
      %run_scoped3A_300 = arith.constant 0 : i32
      %run_scoped3A_301 = arith.constant 0 : i32
      "tpu.region"() ({
        %run_scoped3A_304 = tpu.sem_alloc : memref<!tpu.dma_semaphore, #tpu.memory_space<semaphore_mem>>
        %dma_start3A_305 = arith.constant 0 : i32
        %dma_start3A_306 = arith.constant 0 : i32
        %dma_start3A_307 = tpu.memref_slice %arg10[%run_scoped3A_300, %dma_start3A_305, %dma_start3A_306] : memref<2x128x64xf32, #tpu.memory_space<vmem>> -> memref<1x128x64xf32, #tpu.memory_space<vmem>>
        %dma_start3A_308 = tpu.memref_squeeze %dma_start3A_307 : memref<1x128x64xf32, #tpu.memory_space<vmem>> -> memref<128x64xf32, #tpu.memory_space<vmem>>
        %dma_start3A_309 = arith.constant 0 : i32
        %dma_start3A_310 = tpu.memref_slice %arg9[%run_scoped3A_301, %dma_start3A_309] : memref<2x128xi32, #tpu.memory_space<vmem>> -> memref<1x128xi32, #tpu.memory_space<vmem>>
        %dma_start3A_311 = tpu.memref_squeeze %dma_start3A_310 : memref<1x128xi32, #tpu.memory_space<vmem>> -> memref<128xi32, #tpu.memory_space<vmem>>
        %dma_start3A_312 = arith.constant 0 : i32
        %dma_start3A_313 = arith.constant 0 : i32
        %dma_start3A_314 = tpu.memref_slice %arg13[%dma_start3A_312, %dma_start3A_313] : memref<25216x64xf32, #tpu.memory_space<vmem_shared>> -> memref<25216x64xf32, #tpu.memory_space<vmem_shared>>
        tpu.enqueue_indirect_dma source(%dma_start3A_308 : memref<128x64xf32, #tpu.memory_space<vmem>>) target(%dma_start3A_314 : memref<25216x64xf32, #tpu.memory_space<vmem_shared>>) offsets(%dma_start3A_311 : memref<128xi32, #tpu.memory_space<vmem>>) semaphore(%run_scoped3A_304 : memref<!tpu.dma_semaphore, #tpu.memory_space<semaphore_mem>>) {add = true}
        %dma_wait3A_315 = arith.constant 0 : i32
        %dma_wait3A_316 = arith.constant 0 : i32
        %dma_wait3A_317 = tpu.memref_slice %arg10[%run_scoped3A_300, %dma_wait3A_315, %dma_wait3A_316] : memref<2x128x64xf32, #tpu.memory_space<vmem>> -> memref<1x128x64xf32, #tpu.memory_space<vmem>>
        %dma_wait3A_318 = tpu.memref_squeeze %dma_wait3A_317 : memref<1x128x64xf32, #tpu.memory_space<vmem>> -> memref<128x64xf32, #tpu.memory_space<vmem>>
        %dma_wait3A_319 = arith.constant 0 : i32
        %dma_wait3A_320 = tpu.memref_slice %arg9[%run_scoped3A_301, %dma_wait3A_319] : memref<2x128xi32, #tpu.memory_space<vmem>> -> memref<1x128xi32, #tpu.memory_space<vmem>>
        %dma_wait3A_321 = tpu.memref_squeeze %dma_wait3A_320 : memref<1x128xi32, #tpu.memory_space<vmem>> -> memref<128xi32, #tpu.memory_space<vmem>>
        %dma_wait3A_322 = arith.constant 0 : i32
        %dma_wait3A_323 = arith.constant 0 : i32
        %dma_wait3A_324 = tpu.memref_slice %arg13[%dma_wait3A_322, %dma_wait3A_323] : memref<25216x64xf32, #tpu.memory_space<vmem_shared>> -> memref<25216x64xf32, #tpu.memory_space<vmem_shared>>
        tpu.wait_indirect_dma semaphore(%run_scoped3A_304 : memref<!tpu.dma_semaphore, #tpu.memory_space<semaphore_mem>>) src(%dma_wait3A_318 : memref<128x64xf32, #tpu.memory_space<vmem>>) dst(%dma_wait3A_324 : memref<25216x64xf32, #tpu.memory_space<vmem_shared>>)
        tpu.yield
      }) : () -> ()
      %run_scoped3A_302 = arith.constant 0 : i32
      "tpu.region"() ({
        %run_scoped3A_304 = tpu.sem_alloc : memref<!tpu.dma_semaphore, #tpu.memory_space<semaphore_mem>>
        %dma_start3A_305 = arith.constant 0 : i32
        %dma_start3A_306 = tpu.memref_slice %arg9[%run_scoped3A_302, %dma_start3A_305] : memref<2x128xi32, #tpu.memory_space<vmem>> -> memref<1x128xi32, #tpu.memory_space<vmem>>
        %dma_start3A_307 = tpu.memref_squeeze %dma_start3A_306 : memref<1x128xi32, #tpu.memory_space<vmem>> -> memref<128xi32, #tpu.memory_space<vmem>>
        %dma_start3A_308 = arith.constant 0 : i32
        %dma_start3A_309 = tpu.memref_slice %arg14[%dma_start3A_308] : memref<25216xf32, #tpu.memory_space<vmem_shared>> -> memref<25216xf32, #tpu.memory_space<vmem_shared>>
        tpu.enqueue_indirect_dma source(%arg12 : memref<128xf32, #tpu.memory_space<vmem>>) target(%dma_start3A_309 : memref<25216xf32, #tpu.memory_space<vmem_shared>>) offsets(%dma_start3A_307 : memref<128xi32, #tpu.memory_space<vmem>>) semaphore(%run_scoped3A_304 : memref<!tpu.dma_semaphore, #tpu.memory_space<semaphore_mem>>) {add = true}
        %dma_wait3A_310 = arith.constant 0 : i32
        %dma_wait3A_311 = tpu.memref_slice %arg9[%run_scoped3A_302, %dma_wait3A_310] : memref<2x128xi32, #tpu.memory_space<vmem>> -> memref<1x128xi32, #tpu.memory_space<vmem>>
        %dma_wait3A_312 = tpu.memref_squeeze %dma_wait3A_311 : memref<1x128xi32, #tpu.memory_space<vmem>> -> memref<128xi32, #tpu.memory_space<vmem>>
        %dma_wait3A_313 = arith.constant 0 : i32
        %dma_wait3A_314 = tpu.memref_slice %arg14[%dma_wait3A_313] : memref<25216xf32, #tpu.memory_space<vmem_shared>> -> memref<25216xf32, #tpu.memory_space<vmem_shared>>
        tpu.wait_indirect_dma semaphore(%run_scoped3A_304 : memref<!tpu.dma_semaphore, #tpu.memory_space<semaphore_mem>>) src(%arg12 : memref<128xf32, #tpu.memory_space<vmem>>) dst(%dma_wait3A_314 : memref<25216xf32, #tpu.memory_space<vmem_shared>>)
        tpu.yield
      }) : () -> ()
      %scan3A_303 = arith.constant 0 : i32
      scf.yield %scan3A_303 : i32
    }
    %scan3A_93 = arith.constant 402 : i32
    %barrier3A_94 = arith.constant 0 : index
    tpu.barrier barrier_id(%barrier3A_94)
    "tpu.region"() ({
      %run_scoped3A = tpu.sem_alloc : memref<!tpu.dma_semaphore, #tpu.memory_space<semaphore_mem>>
      %dma_start3A = arith.constant 0 : i32
      %dma_start3A_95 = tpu.memref_slice %arg5[%arg0, %mul3A_38, %dma_start3A] : memref<2x25216x64xf32, #tpu.memory_space<hbm>> -> memref<1x1576x64xf32, #tpu.memory_space<hbm>>
      %dma_start3A_96 = tpu.memref_squeeze %dma_start3A_95 : memref<1x1576x64xf32, #tpu.memory_space<hbm>> -> memref<1576x64xf32, #tpu.memory_space<hbm>>
      %dma_start3A_97 = arith.constant 0 : i32
      %dma_start3A_98 = tpu.memref_slice %arg13[%mul3A_38, %dma_start3A_97] : memref<25216x64xf32, #tpu.memory_space<vmem_shared>> -> memref<1576x64xf32, #tpu.memory_space<vmem_shared>>
      tpu.enqueue_dma source(%dma_start3A_98 : memref<1576x64xf32, #tpu.memory_space<vmem_shared>>) target(%dma_start3A_96 : memref<1576x64xf32, #tpu.memory_space<hbm>>) target_semaphore(%run_scoped3A : memref<!tpu.dma_semaphore, #tpu.memory_space<semaphore_mem>>)
      %dma_wait3A = arith.constant 0 : i32
      %dma_wait3A_99 = tpu.memref_slice %arg5[%arg0, %mul3A_38, %dma_wait3A] : memref<2x25216x64xf32, #tpu.memory_space<hbm>> -> memref<1x1576x64xf32, #tpu.memory_space<hbm>>
      %dma_wait3A_100 = tpu.memref_squeeze %dma_wait3A_99 : memref<1x1576x64xf32, #tpu.memory_space<hbm>> -> memref<1576x64xf32, #tpu.memory_space<hbm>>
      %dma_wait3A_101 = arith.constant 0 : i32
      %dma_wait3A_102 = tpu.memref_slice %arg13[%mul3A_38, %dma_wait3A_101] : memref<25216x64xf32, #tpu.memory_space<vmem_shared>> -> memref<1576x64xf32, #tpu.memory_space<vmem_shared>>
      tpu.wait_dma2 semaphore(%run_scoped3A : memref<!tpu.dma_semaphore, #tpu.memory_space<semaphore_mem>>) src(%dma_wait3A_102 : memref<1576x64xf32, #tpu.memory_space<vmem_shared>>) dst(%dma_wait3A_100 : memref<1576x64xf32, #tpu.memory_space<hbm>>)
      tpu.yield
    }) : () -> ()
    "tpu.region"() ({
      %run_scoped3A = tpu.sem_alloc : memref<!tpu.dma_semaphore, #tpu.memory_space<semaphore_mem>>
      %dma_start3A = tpu.memref_slice %arg6[%arg0, %mul3A_38] : memref<2x25216xf32, #tpu.memory_space<hbm>> -> memref<1x1576xf32, #tpu.memory_space<hbm>>
      %dma_start3A_95 = tpu.memref_squeeze %dma_start3A : memref<1x1576xf32, #tpu.memory_space<hbm>> -> memref<1576xf32, #tpu.memory_space<hbm>>
      %dma_start3A_96 = tpu.memref_slice %arg14[%mul3A_38] : memref<25216xf32, #tpu.memory_space<vmem_shared>> -> memref<1576xf32, #tpu.memory_space<vmem_shared>>
      tpu.enqueue_dma source(%dma_start3A_96 : memref<1576xf32, #tpu.memory_space<vmem_shared>>) target(%dma_start3A_95 : memref<1576xf32, #tpu.memory_space<hbm>>) target_semaphore(%run_scoped3A : memref<!tpu.dma_semaphore, #tpu.memory_space<semaphore_mem>>)
      %dma_wait3A = tpu.memref_slice %arg6[%arg0, %mul3A_38] : memref<2x25216xf32, #tpu.memory_space<hbm>> -> memref<1x1576xf32, #tpu.memory_space<hbm>>
      %dma_wait3A_97 = tpu.memref_squeeze %dma_wait3A : memref<1x1576xf32, #tpu.memory_space<hbm>> -> memref<1576xf32, #tpu.memory_space<hbm>>
      %dma_wait3A_98 = tpu.memref_slice %arg14[%mul3A_38] : memref<25216xf32, #tpu.memory_space<vmem_shared>> -> memref<1576xf32, #tpu.memory_space<vmem_shared>>
      tpu.wait_dma2 semaphore(%run_scoped3A : memref<!tpu.dma_semaphore, #tpu.memory_space<semaphore_mem>>) src(%dma_wait3A_98 : memref<1576xf32, #tpu.memory_space<vmem_shared>>) dst(%dma_wait3A_97 : memref<1576xf32, #tpu.memory_space<hbm>>)
      tpu.yield
    }) : () -> ()
    return
  }
}

module attributes {stable_mosaic.version = 14 : i64} {
  func.func @_cond_kernel(%arg0: memref<512x1xi32, #tpu.memory_space<vmem>>, %arg1: memref<512x1xf32, #tpu.memory_space<vmem>>, %arg2: memref<512x128xf32, #tpu.memory_space<vmem>>, %arg3: memref<128x64xf32, #tpu.memory_space<vmem>>, %arg4: memref<1x64xf32, #tpu.memory_space<vmem>>, %arg5: memref<1000x64xf32, #tpu.memory_space<vmem>>, %arg6: memref<512x80xf32, #tpu.memory_space<vmem>>) attributes {dimension_semantics = [], scalar_prefetch = 0 : i64, scratch_operands = 0 : i64, tpu.core_type = #tpu.core_type<tc>} {
    %get3A = arith.constant 0 : index
    %get3A_0 = arith.constant 0 : index
    %get3A_1 = vector.load %arg0[%get3A, %get3A_0] : memref<512x1xi32, #tpu.memory_space<vmem>>, vector<512x1xi32>
    %iota3A = tpu.iota {dimensions = array<i32: 1>} : vector<512x1000xi32>
    %eq3A = vector.broadcast %get3A_1 : vector<512x1xi32> to vector<512x1000xi32>
    %eq3A_2 = arith.cmpi eq, %eq3A, %iota3A : vector<512x1000xi32>
    %convert_element_type3A = arith.extui %eq3A_2 : vector<512x1000xi1> to vector<512x1000xi32>
    %convert_element_type3A_3 = arith.sitofp %convert_element_type3A : vector<512x1000xi32> to vector<512x1000xf32>
    %get3A_4 = arith.constant 0 : index
    %get3A_5 = arith.constant 0 : index
    %get3A_6 = vector.load %arg5[%get3A_4, %get3A_5] : memref<1000x64xf32, #tpu.memory_space<vmem>>, vector<1000x64xf32>
    %dot_general3A = arith.constant dense<0.000000e+00> : vector<512x64xf32>
    %dot_general3A_7 = tpu.matmul %convert_element_type3A_3, %get3A_6, %dot_general3A {dimension_numbers = #tpu.dot_dimension_numbers<[1], [0], [0], [1], [0, 0, 1, 1], [], []>, transpose_lhs_hint = false} : vector<512x1000xf32>, vector<1000x64xf32>, vector<512x64xf32> -> vector<512x64xf32>
    %get3A_8 = arith.constant 0 : index
    %get3A_9 = arith.constant 0 : index
    %get3A_10 = vector.load %arg2[%get3A_8, %get3A_9] : memref<512x128xf32, #tpu.memory_space<vmem>>, vector<512x128xf32>
    %get3A_11 = arith.constant 0 : index
    %get3A_12 = arith.constant 0 : index
    %get3A_13 = vector.load %arg3[%get3A_11, %get3A_12] : memref<128x64xf32, #tpu.memory_space<vmem>>, vector<128x64xf32>
    %dot_general3A_14 = arith.constant dense<0.000000e+00> : vector<512x64xf32>
    %dot_general3A_15 = tpu.matmul %get3A_10, %get3A_13, %dot_general3A_14 {dimension_numbers = #tpu.dot_dimension_numbers<[1], [0], [0], [1], [0, 0, 1, 1], [], []>, transpose_lhs_hint = false} : vector<512x128xf32>, vector<128x64xf32>, vector<512x64xf32> -> vector<512x64xf32>
    %add3A = arith.addf %dot_general3A_7, %dot_general3A_15 : vector<512x64xf32>
    %get3A_16 = arith.constant 0 : index
    %get3A_17 = arith.constant 0 : index
    %get3A_18 = vector.load %arg4[%get3A_16, %get3A_17] : memref<1x64xf32, #tpu.memory_space<vmem>>, vector<1x64xf32>
    %add3A_19 = vector.broadcast %get3A_18 : vector<1x64xf32> to vector<512x64xf32>
    %add3A_20 = arith.addf %add3A, %add3A_19 : vector<512x64xf32>
    %iota3A_21 = tpu.iota {dimensions = array<i32: 0>} : vector<512x1xi32>
    %lt3A = arith.constant 500 : i32
    %lt3A_22 = vector.broadcast %lt3A : i32 to vector<512x1xi32>
    %lt3A_23 = arith.cmpi slt, %iota3A_21, %lt3A_22 : vector<512x1xi32>
    %convert_element_type3A_24 = arith.extui %lt3A_23 : vector<512x1xi1> to vector<512x1xi32>
    %convert_element_type3A_25 = arith.sitofp %convert_element_type3A_24 : vector<512x1xi32> to vector<512x1xf32>
    %mul3A = vector.broadcast %convert_element_type3A_25 : vector<512x1xf32> to vector<512x64xf32>
    %mul3A_26 = arith.mulf %add3A_20, %mul3A : vector<512x64xf32>
    %get3A_27 = arith.constant 0 : index
    %get3A_28 = arith.constant 0 : index
    %get3A_29 = vector.load %arg1[%get3A_27, %get3A_28] : memref<512x1xf32, #tpu.memory_space<vmem>>, vector<512x1xf32>
    %mul3A_30 = arith.mulf %get3A_29, %convert_element_type3A_25 : vector<512x1xf32>
    %broadcast_in_dim3A = arith.constant 0.000000e+00 : f32
    %broadcast_in_dim3A_31 = vector.broadcast %broadcast_in_dim3A : f32 to vector<512x15xf32>
    %concatenate3A = tpu.concatenate %mul3A_26, %mul3A_30, %broadcast_in_dim3A_31 in 1 : vector<512x64xf32>, vector<512x1xf32>, vector<512x15xf32> -> vector<512x80xf32>
    %swap3A = arith.constant 0 : index
    %swap3A_32 = arith.constant 0 : index
    %swap3A_33 = vector.load %arg6[%swap3A, %swap3A_32] : memref<512x80xf32, #tpu.memory_space<vmem>>, vector<512x80xf32>
    tpu.vector_store %arg6[%swap3A, %swap3A_32], %concatenate3A {strides = array<i32>} : memref<512x80xf32, #tpu.memory_space<vmem>>, vector<512x80xf32>,
    return
  }
}

module attributes {stable_mosaic.version = 14 : i64} {
  func.func @_h_kernel(%arg0: i32, %arg1: memref<512x1xi32, #tpu.memory_space<vmem>>, %arg2: memref<512x1xi32, #tpu.memory_space<vmem>>, %arg3: memref<512x1xf32, #tpu.memory_space<vmem>>, %arg4: memref<512x80xf32, #tpu.memory_space<vmem>>, %arg5: memref<1000x2xf32, #tpu.memory_space<vmem>>, %arg6: memref<1x64xf32, #tpu.memory_space<vmem>>, %arg7: memref<1x64xf32, #tpu.memory_space<vmem>>, %arg8: memref<512x64xf32, #tpu.memory_space<vmem>>, %arg9: memref<512x1xf32, #tpu.memory_space<vmem>>) attributes {dimension_semantics = [#tpu.dimension_semantics<arbitrary>], iteration_bounds = array<i64: 98>, scalar_prefetch = 0 : i64, scratch_operands = 0 : i64, tpu.core_type = #tpu.core_type<tc>, window_params = [{transform_indices = @transform_0, window_bounds = array<i64: 512, 1>}, {transform_indices = @transform_1, window_bounds = array<i64: 512, 1>}, {transform_indices = @transform_2, window_bounds = array<i64: 512, 1>}, {pipeline_mode = #tpu.pipeline_mode<synchronous>, transform_indices = @transform_3, window_bounds = array<i64: 512, 80>}, {pipeline_mode = #tpu.pipeline_mode<synchronous>, transform_indices = @transform_4, window_bounds = array<i64: 1000, 2>}, {pipeline_mode = #tpu.pipeline_mode<synchronous>, transform_indices = @transform_5, window_bounds = array<i64: 1, 64>}, {pipeline_mode = #tpu.pipeline_mode<synchronous>, transform_indices = @transform_6, window_bounds = array<i64: 1, 64>}, {transform_indices = @transform_7, window_bounds = array<i64: 512, 64>}, {transform_indices = @transform_8, window_bounds = array<i64: 512, 1>}]} {
    %get3A = arith.constant 0 : index
    %get3A_0 = arith.constant 0 : index
    %get3A_1 = vector.load %arg1[%get3A, %get3A_0] : memref<512x1xi32, #tpu.memory_space<vmem>>, vector<512x1xi32>
    %iota3A = tpu.iota {dimensions = array<i32: 1>} : vector<512x512xi32>
    %eq3A = vector.broadcast %get3A_1 : vector<512x1xi32> to vector<512x512xi32>
    %eq3A_2 = arith.cmpi eq, %eq3A, %iota3A : vector<512x512xi32>
    %convert_element_type3A = arith.extui %eq3A_2 : vector<512x512xi1> to vector<512x512xi32>
    %convert_element_type3A_3 = arith.sitofp %convert_element_type3A : vector<512x512xi32> to vector<512x512xf32>
    %get3A_4 = arith.constant 0 : index
    %get3A_5 = arith.constant 0 : index
    %get3A_6 = vector.load %arg4[%get3A_4, %get3A_5] : memref<512x80xf32, #tpu.memory_space<vmem>>, vector<512x80xf32>
    %dot_general3A = arith.constant dense<0.000000e+00> : vector<512x80xf32>
    %dot_general3A_7 = tpu.matmul %convert_element_type3A_3, %get3A_6, %dot_general3A {dimension_numbers = #tpu.dot_dimension_numbers<[1], [0], [0], [1], [0, 0, 1, 1], [], []>, transpose_lhs_hint = false} : vector<512x512xf32>, vector<512x80xf32>, vector<512x80xf32> -> vector<512x80xf32>
    %slice3A = vector.extract_strided_slice %dot_general3A_7 {offsets = [0, 64], sizes = [512, 1], strides = [1, 1]} : vector<512x80xf32> to vector<512x1xf32>
    %get3A_8 = arith.constant 0 : index
    %get3A_9 = arith.constant 0 : index
    %get3A_10 = vector.load %arg2[%get3A_8, %get3A_9] : memref<512x1xi32, #tpu.memory_space<vmem>>, vector<512x1xi32>
    %iota3A_11 = tpu.iota {dimensions = array<i32: 1>} : vector<512x1000xi32>
    %eq3A_12 = vector.broadcast %get3A_10 : vector<512x1xi32> to vector<512x1000xi32>
    %eq3A_13 = arith.cmpi eq, %eq3A_12, %iota3A_11 : vector<512x1000xi32>
    %convert_element_type3A_14 = arith.extui %eq3A_13 : vector<512x1000xi1> to vector<512x1000xi32>
    %convert_element_type3A_15 = arith.sitofp %convert_element_type3A_14 : vector<512x1000xi32> to vector<512x1000xf32>
    %get3A_16 = arith.constant 0 : index
    %get3A_17 = arith.constant 0 : index
    %get3A_18 = vector.load %arg5[%get3A_16, %get3A_17] : memref<1000x2xf32, #tpu.memory_space<vmem>>, vector<1000x2xf32>
    %dot_general3A_19 = arith.constant dense<0.000000e+00> : vector<512x2xf32>
    %dot_general3A_20 = tpu.matmul %convert_element_type3A_15, %get3A_18, %dot_general3A_19 {dimension_numbers = #tpu.dot_dimension_numbers<[1], [0], [0], [1], [0, 0, 1, 1], [], []>, transpose_lhs_hint = false} : vector<512x1000xf32>, vector<1000x2xf32>, vector<512x2xf32> -> vector<512x2xf32>
    %slice3A_21 = vector.extract_strided_slice %dot_general3A_20 {offsets = [0, 0], sizes = [512, 1], strides = [1, 1]} : vector<512x2xf32> to vector<512x1xf32>
    %mul3A = arith.mulf %slice3A_21, %slice3A : vector<512x1xf32>
    %slice3A_22 = vector.extract_strided_slice %dot_general3A_20 {offsets = [0, 1], sizes = [512, 1], strides = [1, 1]} : vector<512x2xf32> to vector<512x1xf32>
    %get3A_23 = arith.constant 0 : index
    %get3A_24 = arith.constant 0 : index
    %get3A_25 = vector.load %arg3[%get3A_23, %get3A_24] : memref<512x1xf32, #tpu.memory_space<vmem>>, vector<512x1xf32>
    %mul3A_26 = arith.mulf %slice3A_22, %get3A_25 : vector<512x1xf32>
    %add3A = arith.addf %mul3A, %mul3A_26 : vector<512x1xf32>
    %get3A_27 = arith.constant 0 : index
    %get3A_28 = arith.constant 0 : index
    %get3A_29 = vector.load %arg6[%get3A_27, %get3A_28] : memref<1x64xf32, #tpu.memory_space<vmem>>, vector<1x64xf32>
    %mul3A_30 = vector.broadcast %add3A : vector<512x1xf32> to vector<512x64xf32>
    %mul3A_31 = vector.broadcast %get3A_29 : vector<1x64xf32> to vector<512x64xf32>
    %mul3A_32 = arith.mulf %mul3A_30, %mul3A_31 : vector<512x64xf32>
    %get3A_33 = arith.constant 0 : index
    %get3A_34 = arith.constant 0 : index
    %get3A_35 = vector.load %arg7[%get3A_33, %get3A_34] : memref<1x64xf32, #tpu.memory_space<vmem>>, vector<1x64xf32>
    %add3A_36 = vector.broadcast %get3A_35 : vector<1x64xf32> to vector<512x64xf32>
    %add3A_37 = arith.addf %mul3A_32, %add3A_36 : vector<512x64xf32>
    %slice3A_38 = vector.extract_strided_slice %dot_general3A_7 {offsets = [0, 0], sizes = [512, 64], strides = [1, 1]} : vector<512x80xf32> to vector<512x64xf32>
    %add3A_39 = arith.addf %add3A_37, %slice3A_38 : vector<512x64xf32>
    %max3A = arith.constant 0.000000e+00 : f32
    %max3A_40 = vector.broadcast %max3A : f32 to vector<512x64xf32>
    %max3A_41 = arith.maximumf %add3A_39, %max3A_40 : vector<512x64xf32>
    %swap3A = arith.constant 0 : index
    %swap3A_42 = arith.constant 0 : index
    %swap3A_43 = vector.load %arg8[%swap3A, %swap3A_42] : memref<512x64xf32, #tpu.memory_space<vmem>>, vector<512x64xf32>
    tpu.vector_store %arg8[%swap3A, %swap3A_42], %max3A_41 {strides = array<i32>} : memref<512x64xf32, #tpu.memory_space<vmem>>, vector<512x64xf32>,
    %swap3A_44 = arith.constant 0 : index
    %swap3A_45 = arith.constant 0 : index
    %swap3A_46 = vector.load %arg9[%swap3A_44, %swap3A_45] : memref<512x1xf32, #tpu.memory_space<vmem>>, vector<512x1xf32>
    tpu.vector_store %arg9[%swap3A_44, %swap3A_45], %slice3A {strides = array<i32>} : memref<512x1xf32, #tpu.memory_space<vmem>>, vector<512x1xf32>,
    return
  }
  func.func @transform_0(%arg0: i32) -> (i32, i32) {
    %c0_i32 = arith.constant 0 : i32
    %c0_i32_0 = arith.constant 0 : i32
    return %arg0, %c0_i32 : i32, i32
  }
  func.func @transform_1(%arg0: i32) -> (i32, i32) {
    %c0_i32 = arith.constant 0 : i32
    %c0_i32_0 = arith.constant 0 : i32
    return %arg0, %c0_i32 : i32, i32
  }
  func.func @transform_2(%arg0: i32) -> (i32, i32) {
    %c0_i32 = arith.constant 0 : i32
    %c0_i32_0 = arith.constant 0 : i32
    return %arg0, %c0_i32 : i32, i32
  }
  func.func @transform_3(%arg0: i32) -> (i32, i32) {
    %c0_i32 = arith.constant 0 : i32
    %c0_i32_0 = arith.constant 0 : i32
    %c0_i32_1 = arith.constant 0 : i32
    return %c0_i32, %c0_i32_0 : i32, i32
  }
  func.func @transform_4(%arg0: i32) -> (i32, i32) {
    %c0_i32 = arith.constant 0 : i32
    %c0_i32_0 = arith.constant 0 : i32
    %c0_i32_1 = arith.constant 0 : i32
    return %c0_i32, %c0_i32_0 : i32, i32
  }
  func.func @transform_5(%arg0: i32) -> (i32, i32) {
    %c0_i32 = arith.constant 0 : i32
    %c0_i32_0 = arith.constant 0 : i32
    %c0_i32_1 = arith.constant 0 : i32
    return %c0_i32, %c0_i32_0 : i32, i32
  }
  func.func @transform_6(%arg0: i32) -> (i32, i32) {
    %c0_i32 = arith.constant 0 : i32
    %c0_i32_0 = arith.constant 0 : i32
    %c0_i32_1 = arith.constant 0 : i32
    return %c0_i32, %c0_i32_0 : i32, i32
  }
  func.func @transform_7(%arg0: i32) -> (i32, i32) {
    %c0_i32 = arith.constant 0 : i32
    %c0_i32_0 = arith.constant 0 : i32
    return %arg0, %c0_i32 : i32, i32
  }
  func.func @transform_8(%arg0: i32) -> (i32, i32) {
    %c0_i32 = arith.constant 0 : i32
    %c0_i32_0 = arith.constant 0 : i32
    return %arg0, %c0_i32 : i32, i32
  }
}

module attributes {stable_mosaic.version = 14 : i64} {
  func.func @_out_kernel(%arg0: i32, %arg1: memref<512x64xf32, #tpu.memory_space<vmem>>, %arg2: memref<512x1xf32, #tpu.memory_space<vmem>>, %arg3: memref<1x512x64xf32, #tpu.memory_space<vmem>>, %arg4: memref<1x512x1xf32, #tpu.memory_space<vmem>>, %arg5: memref<64x64xf32, #tpu.memory_space<vmem>>, %arg6: memref<1x64xf32, #tpu.memory_space<vmem>>, %arg7: memref<64x1xf32, #tpu.memory_space<vmem>>, %arg8: memref<1x1xf32, #tpu.memory_space<vmem>>, %arg9: memref<1x1xf32, #tpu.memory_space<vmem>>) attributes {dimension_semantics = [#tpu.dimension_semantics<arbitrary>], iteration_bounds = array<i64: 98>, scalar_prefetch = 0 : i64, scratch_operands = 0 : i64, tpu.core_type = #tpu.core_type<tc>, window_params = [{transform_indices = @transform_0, window_bounds = array<i64: 512, 64>}, {transform_indices = @transform_1, window_bounds = array<i64: 512, 1>}, {transform_indices = @transform_2, window_bounds = array<i64: 1, 512, 64>}, {transform_indices = @transform_3, window_bounds = array<i64: 1, 512, 1>}, {pipeline_mode = #tpu.pipeline_mode<synchronous>, transform_indices = @transform_4, window_bounds = array<i64: 64, 64>}, {pipeline_mode = #tpu.pipeline_mode<synchronous>, transform_indices = @transform_5, window_bounds = array<i64: 1, 64>}, {pipeline_mode = #tpu.pipeline_mode<synchronous>, transform_indices = @transform_6, window_bounds = array<i64: 64, 1>}, {pipeline_mode = #tpu.pipeline_mode<synchronous>, transform_indices = @transform_7, window_bounds = array<i64: 1, 1>}, {pipeline_mode = #tpu.pipeline_mode<synchronous>, transform_indices = @transform_8, window_bounds = array<i64: 1, 1>}]} {
    %get3A = arith.constant 0 : index
    %get3A_0 = arith.constant 0 : index
    %get3A_1 = vector.load %arg1[%get3A, %get3A_0] : memref<512x64xf32, #tpu.memory_space<vmem>>, vector<512x64xf32>
    %get3A_2 = arith.constant 0 : index
    %get3A_3 = arith.constant 0 : index
    %get3A_4 = vector.load %arg2[%get3A_2, %get3A_3] : memref<512x1xf32, #tpu.memory_space<vmem>>, vector<512x1xf32>
    %get3A_5 = arith.constant 0 : index
    %get3A_6 = arith.constant 0 : index
    %get3A_7 = arith.constant 0 : index
    %get3A_8 = vector.load %arg3[%get3A_5, %get3A_6, %get3A_7] : memref<1x512x64xf32, #tpu.memory_space<vmem>>, vector<1x512x64xf32>
    %get3A_9 = vector.shape_cast %get3A_8 : vector<1x512x64xf32> to vector<512x64xf32>
    %get3A_10 = arith.constant 0 : index
    %get3A_11 = arith.constant 0 : index
    %get3A_12 = arith.constant 0 : index
    %get3A_13 = vector.load %arg4[%get3A_10, %get3A_11, %get3A_12] : memref<1x512x1xf32, #tpu.memory_space<vmem>>, vector<1x512x1xf32>
    %get3A_14 = vector.shape_cast %get3A_13 : vector<1x512x1xf32> to vector<512x1xf32>
    %max3A = arith.constant 1.000000e+00 : f32
    %max3A_15 = vector.broadcast %max3A : f32 to vector<512x1xf32>
    %max3A_16 = arith.maximumf %get3A_14, %max3A_15 : vector<512x1xf32>
    %div3A = vector.broadcast %max3A_16 : vector<512x1xf32> to vector<512x64xf32>
    %div3A_17 = arith.divf %get3A_9, %div3A : vector<512x64xf32>
    %add3A = arith.addf %get3A_1, %div3A_17 : vector<512x64xf32>
    %get3A_18 = arith.constant 0 : index
    %get3A_19 = arith.constant 0 : index
    %get3A_20 = vector.load %arg5[%get3A_18, %get3A_19] : memref<64x64xf32, #tpu.memory_space<vmem>>, vector<64x64xf32>
    %dot_general3A = arith.constant dense<0.000000e+00> : vector<512x64xf32>
    %dot_general3A_21 = tpu.matmul %add3A, %get3A_20, %dot_general3A {dimension_numbers = #tpu.dot_dimension_numbers<[1], [0], [0], [1], [0, 0, 1, 1], [], []>, transpose_lhs_hint = false} : vector<512x64xf32>, vector<64x64xf32>, vector<512x64xf32> -> vector<512x64xf32>
    %get3A_22 = arith.constant 0 : index
    %get3A_23 = arith.constant 0 : index
    %get3A_24 = vector.load %arg6[%get3A_22, %get3A_23] : memref<1x64xf32, #tpu.memory_space<vmem>>, vector<1x64xf32>
    %add3A_25 = vector.broadcast %get3A_24 : vector<1x64xf32> to vector<512x64xf32>
    %add3A_26 = arith.addf %dot_general3A_21, %add3A_25 : vector<512x64xf32>
    %max3A_27 = arith.constant 0.000000e+00 : f32
    %max3A_28 = vector.broadcast %max3A_27 : f32 to vector<512x64xf32>
    %max3A_29 = arith.maximumf %add3A_26, %max3A_28 : vector<512x64xf32>
    %get3A_30 = arith.constant 0 : index
    %get3A_31 = arith.constant 0 : index
    %get3A_32 = vector.load %arg7[%get3A_30, %get3A_31] : memref<64x1xf32, #tpu.memory_space<vmem>>, vector<64x1xf32>
    %dot_general3A_33 = arith.constant dense<0.000000e+00> : vector<512x1xf32>
    %dot_general3A_34 = tpu.matmul %max3A_29, %get3A_32, %dot_general3A_33 {dimension_numbers = #tpu.dot_dimension_numbers<[1], [0], [0], [1], [0, 0, 1, 1], [], []>, transpose_lhs_hint = false} : vector<512x64xf32>, vector<64x1xf32>, vector<512x1xf32> -> vector<512x1xf32>
    %get3A_35 = arith.constant 0 : index
    %get3A_36 = arith.constant 0 : index
    %get3A_37 = vector.load %arg8[%get3A_35, %get3A_36] : memref<1x1xf32, #tpu.memory_space<vmem>>, vector<1x1xf32>
    %add3A_38 = vector.broadcast %get3A_37 : vector<1x1xf32> to vector<512x1xf32>
    %add3A_39 = arith.addf %dot_general3A_34, %add3A_38 : vector<512x1xf32>
    %mul3A = arith.constant 512 : i32
    %mul3A_40 = arith.muli %arg0, %mul3A : i32
    %iota3A = tpu.iota {dimensions = array<i32: 0>} : vector<512x1xi32>
    %add3A_41 = vector.broadcast %mul3A_40 : i32 to vector<512x1xi32>
    %add3A_42 = arith.addi %add3A_41, %iota3A : vector<512x1xi32>
    %lt3A = arith.constant 50000 : i32
    %lt3A_43 = vector.broadcast %lt3A : i32 to vector<512x1xi32>
    %lt3A_44 = arith.cmpi slt, %add3A_42, %lt3A_43 : vector<512x1xi32>
    %convert_element_type3A = arith.extui %lt3A_44 : vector<512x1xi1> to vector<512x1xi32>
    %convert_element_type3A_45 = arith.sitofp %convert_element_type3A : vector<512x1xi32> to vector<512x1xf32>
    %sub3A = arith.subf %add3A_39, %get3A_4 : vector<512x1xf32>
    %integer_pow3A = arith.mulf %sub3A, %sub3A : vector<512x1xf32>
    %mul3A_46 = arith.mulf %integer_pow3A, %convert_element_type3A_45 : vector<512x1xf32>
    %reduce_sum3A = vector.shape_cast %mul3A_46 : vector<512x1xf32> to vector<1x512x1xf32>
    %reduce_sum3A_47 = arith.constant dense<0.000000e+00> : vector<1xf32>
    %reduce_sum3A_48 = vector.multi_reduction <add>, %reduce_sum3A, %reduce_sum3A_47 [1, 2] : vector<1x512x1xf32> to vector<1xf32>
    %reduce_sum3A_49 = vector.shape_cast %reduce_sum3A_48 : vector<1xf32> to vector<1x1x1xf32>
    %reduce_sum3A_50 = vector.extract %reduce_sum3A_49[0, 0, 0] : f32 from vector<1x1x1xf32>
    %reshape3A = vector.broadcast %reduce_sum3A_50 : f32 to vector<1x1xf32>
    %eq3A = arith.constant 0 : i32
    %eq3A_51 = arith.cmpi eq, %arg0, %eq3A : i32
    %convert_element_type3A_52 = arith.extui %eq3A_51 : i1 to i32
    %cond3A = arith.constant 0 : i32
    %cond3A_53 = arith.cmpi ne, %convert_element_type3A_52, %cond3A : i32
    scf.if %cond3A_53 {
      %swap3A = arith.constant 0 : index
      %swap3A_58 = arith.constant 0 : index
      %swap3A_59 = vector.load %arg9[%swap3A, %swap3A_58] : memref<1x1xf32, #tpu.memory_space<vmem>>, vector<1x1xf32>
      tpu.vector_store %arg9[%swap3A, %swap3A_58], %reshape3A {strides = array<i32>} : memref<1x1xf32, #tpu.memory_space<vmem>>, vector<1x1xf32>,
    } else {
    }
    %ne3A = arith.constant 0 : i32
    %ne3A_54 = arith.cmpi ne, %arg0, %ne3A : i32
    %convert_element_type3A_55 = arith.extui %ne3A_54 : i1 to i32
    %cond3A_56 = arith.constant 0 : i32
    %cond3A_57 = arith.cmpi ne, %convert_element_type3A_55, %cond3A_56 : i32
    scf.if %cond3A_57 {
      %get3A_58 = arith.constant 0 : index
      %get3A_59 = arith.constant 0 : index
      %get3A_60 = vector.load %arg9[%get3A_58, %get3A_59] : memref<1x1xf32, #tpu.memory_space<vmem>>, vector<1x1xf32>
      %add3A_61 = arith.addf %get3A_60, %reshape3A : vector<1x1xf32>
      %swap3A = arith.constant 0 : index
      %swap3A_62 = arith.constant 0 : index
      %swap3A_63 = vector.load %arg9[%swap3A, %swap3A_62] : memref<1x1xf32, #tpu.memory_space<vmem>>, vector<1x1xf32>
      tpu.vector_store %arg9[%swap3A, %swap3A_62], %add3A_61 {strides = array<i32>} : memref<1x1xf32, #tpu.memory_space<vmem>>, vector<1x1xf32>,
    } else {
    }
    return
  }
  func.func @transform_0(%arg0: i32) -> (i32, i32) {
    %c0_i32 = arith.constant 0 : i32
    %c0_i32_0 = arith.constant 0 : i32
    return %arg0, %c0_i32 : i32, i32
  }
  func.func @transform_1(%arg0: i32) -> (i32, i32) {
    %c0_i32 = arith.constant 0 : i32
    %c0_i32_0 = arith.constant 0 : i32
    return %arg0, %c0_i32 : i32, i32
  }
  func.func @transform_2(%arg0: i32) -> (i32, i32, i32) {
    %jit3A = arith.constant 49 : i32
    %div3A = arith.divsi %arg0, %jit3A : i32
    %sign3A = arith.constant 0 : i32
    %sign3A_0 = arith.cmpi sgt, %arg0, %sign3A : i32
    %sign3A_1 = arith.extui %sign3A_0 : i1 to i32
    %sign3A_2 = arith.constant 0 : i32
    %sign3A_3 = arith.cmpi slt, %arg0, %sign3A_2 : i32
    %sign3A_4 = arith.extui %sign3A_3 : i1 to i32
    %sign3A_5 = arith.subi %sign3A_1, %sign3A_4 : i32
    %sign3A_6 = arith.constant 0 : i32
    %sign3A_7 = arith.cmpi sgt, %jit3A, %sign3A_6 : i32
    %sign3A_8 = arith.extui %sign3A_7 : i1 to i32
    %sign3A_9 = arith.constant 0 : i32
    %sign3A_10 = arith.cmpi slt, %jit3A, %sign3A_9 : i32
    %sign3A_11 = arith.extui %sign3A_10 : i1 to i32
    %sign3A_12 = arith.subi %sign3A_8, %sign3A_11 : i32
    %ne3A = arith.cmpi ne, %sign3A_5, %sign3A_12 : i32
    %rem3A = arith.remsi %arg0, %jit3A : i32
    %ne3A_13 = arith.constant 0 : i32
    %ne3A_14 = arith.cmpi ne, %rem3A, %ne3A_13 : i32
    %and3A = arith.andi %ne3A, %ne3A_14 : i1
    %sub3A = arith.constant 1 : i32
    %sub3A_15 = arith.subi %div3A, %sub3A : i32
    %select_n3A = arith.select %and3A, %sub3A_15, %div3A : i32
    %jit3A_16 = arith.constant 49 : i32
    %eq3A = arith.constant 0 : i32
    %eq3A_17 = arith.cmpi eq, %jit3A_16, %eq3A : i32
    %jit3A_18 = arith.constant 1 : i32
    %select_n3A_19 = arith.select %eq3A_17, %jit3A_18, %jit3A_16 : i32
    %rem3A_20 = arith.remsi %arg0, %select_n3A_19 : i32
    %ne3A_21 = arith.constant 0 : i32
    %ne3A_22 = arith.cmpi ne, %rem3A_20, %ne3A_21 : i32
    %lt3A = arith.constant 0 : i32
    %lt3A_23 = arith.cmpi slt, %rem3A_20, %lt3A : i32
    %lt3A_24 = arith.constant 0 : i32
    %lt3A_25 = arith.cmpi slt, %select_n3A_19, %lt3A_24 : i32
    %ne3A_26 = arith.xori %lt3A_23, %lt3A_25 : i1
    %and3A_27 = arith.andi %ne3A_26, %ne3A_22 : i1
    %add3A = arith.addi %rem3A_20, %select_n3A_19 : i32
    %select_n3A_28 = arith.select %and3A_27, %add3A, %rem3A_20 : i32
    %c0_i32 = arith.constant 0 : i32
    %c0_i32_29 = arith.constant 0 : i32
    return %select_n3A, %select_n3A_28, %c0_i32 : i32, i32, i32
  }
  func.func @transform_3(%arg0: i32) -> (i32, i32, i32) {
    %jit3A = arith.constant 49 : i32
    %div3A = arith.divsi %arg0, %jit3A : i32
    %sign3A = arith.constant 0 : i32
    %sign3A_0 = arith.cmpi sgt, %arg0, %sign3A : i32
    %sign3A_1 = arith.extui %sign3A_0 : i1 to i32
    %sign3A_2 = arith.constant 0 : i32
    %sign3A_3 = arith.cmpi slt, %arg0, %sign3A_2 : i32
    %sign3A_4 = arith.extui %sign3A_3 : i1 to i32
    %sign3A_5 = arith.subi %sign3A_1, %sign3A_4 : i32
    %sign3A_6 = arith.constant 0 : i32
    %sign3A_7 = arith.cmpi sgt, %jit3A, %sign3A_6 : i32
    %sign3A_8 = arith.extui %sign3A_7 : i1 to i32
    %sign3A_9 = arith.constant 0 : i32
    %sign3A_10 = arith.cmpi slt, %jit3A, %sign3A_9 : i32
    %sign3A_11 = arith.extui %sign3A_10 : i1 to i32
    %sign3A_12 = arith.subi %sign3A_8, %sign3A_11 : i32
    %ne3A = arith.cmpi ne, %sign3A_5, %sign3A_12 : i32
    %rem3A = arith.remsi %arg0, %jit3A : i32
    %ne3A_13 = arith.constant 0 : i32
    %ne3A_14 = arith.cmpi ne, %rem3A, %ne3A_13 : i32
    %and3A = arith.andi %ne3A, %ne3A_14 : i1
    %sub3A = arith.constant 1 : i32
    %sub3A_15 = arith.subi %div3A, %sub3A : i32
    %select_n3A = arith.select %and3A, %sub3A_15, %div3A : i32
    %jit3A_16 = arith.constant 49 : i32
    %eq3A = arith.constant 0 : i32
    %eq3A_17 = arith.cmpi eq, %jit3A_16, %eq3A : i32
    %jit3A_18 = arith.constant 1 : i32
    %select_n3A_19 = arith.select %eq3A_17, %jit3A_18, %jit3A_16 : i32
    %rem3A_20 = arith.remsi %arg0, %select_n3A_19 : i32
    %ne3A_21 = arith.constant 0 : i32
    %ne3A_22 = arith.cmpi ne, %rem3A_20, %ne3A_21 : i32
    %lt3A = arith.constant 0 : i32
    %lt3A_23 = arith.cmpi slt, %rem3A_20, %lt3A : i32
    %lt3A_24 = arith.constant 0 : i32
    %lt3A_25 = arith.cmpi slt, %select_n3A_19, %lt3A_24 : i32
    %ne3A_26 = arith.xori %lt3A_23, %lt3A_25 : i1
    %and3A_27 = arith.andi %ne3A_26, %ne3A_22 : i1
    %add3A = arith.addi %rem3A_20, %select_n3A_19 : i32
    %select_n3A_28 = arith.select %and3A_27, %add3A, %rem3A_20 : i32
    %c0_i32 = arith.constant 0 : i32
    %c0_i32_29 = arith.constant 0 : i32
    return %select_n3A, %select_n3A_28, %c0_i32 : i32, i32, i32
  }
  func.func @transform_4(%arg0: i32) -> (i32, i32) {
    %c0_i32 = arith.constant 0 : i32
    %c0_i32_0 = arith.constant 0 : i32
    %c0_i32_1 = arith.constant 0 : i32
    return %c0_i32, %c0_i32_0 : i32, i32
  }
  func.func @transform_5(%arg0: i32) -> (i32, i32) {
    %c0_i32 = arith.constant 0 : i32
    %c0_i32_0 = arith.constant 0 : i32
    %c0_i32_1 = arith.constant 0 : i32
    return %c0_i32, %c0_i32_0 : i32, i32
  }
  func.func @transform_6(%arg0: i32) -> (i32, i32) {
    %c0_i32 = arith.constant 0 : i32
    %c0_i32_0 = arith.constant 0 : i32
    %c0_i32_1 = arith.constant 0 : i32
    return %c0_i32, %c0_i32_0 : i32, i32
  }
  func.func @transform_7(%arg0: i32) -> (i32, i32) {
    %c0_i32 = arith.constant 0 : i32
    %c0_i32_0 = arith.constant 0 : i32
    %c0_i32_1 = arith.constant 0 : i32
    return %c0_i32, %c0_i32_0 : i32, i32
  }
  func.func @transform_8(%arg0: i32) -> (i32, i32) {
    %c0_i32 = arith.constant 0 : i32
    %c0_i32_0 = arith.constant 0 : i32
    %c0_i32_1 = arith.constant 0 : i32
    return %c0_i32, %c0_i32_0 : i32, i32
  }
}

</mosaic_0001>

<sc_bundles>
// kernel: kernel.8.cloned.1.call-start
scs
__scs_entry_jumppad:
0x0: {  	(pc) =	sbr.rel $0x88, $3  }
0x1: {  	(tag) =	ssettag $0x0;
	lr =	simm.s32 $0x1  }
0x2: {  	[smem:$0x3F94] =	sst lr;
	_ =	strace $0xD0000000  }
0x3: {  	_ = 	snop  }
0x4: {  	_ = 	snop  }
0x5: {  	_ = 	snop  }
0x6: {  	_ = 	snop  }
0x7: {  	_ = 	snop  }
__scs_overlays_trampoline_lowered:
0x8: {  	[smem:$0x3FA3] =	sst s0  }
0x9: {  	[smem:$0x3FA4] =	sst s1  }
0xa: {  	[smem:$0x3FA5] =	sst s2  }
0xb: {  	[smem:$0x3FA6] =	sst s3  }
0xc: {  	[smem:$0x3FA7] =	sst s4  }
0xd: {  	[smem:$0x3FA8] =	sst s5  }
0xe: {  	[smem:$0x3FA9] =	sst s6  }
0xf: {  	[smem:$0x3FAA] =	sst s7  }
0x10: {  	[smem:$0x3FAB] =	sst s8  }
0x11: {  	[smem:$0x3FAC] =	sst s9;
	s0 =	simm.s32 @!p0 $0x0  }
0x12: {  	s1 =	sld [smem:$0x3F92];
	s0 =	simm.s32 @p0 $0x1  }
0x13: {  	[smem:$0x3FAD] =	sst s0;
	s0 =	simm.s32 @!p1 $0x0  }
0x14: {  	s2 =	sld [smem:$0x3F91];
	s0 =	simm.s32 @p1 $0x1  }
0x15: {  	[smem:$0x3FAE] =	sst s0;
	s0 =	simm.s32 @!p2 $0x0  }
0x16: {  	s3 =	sld [smem:$0x3FDB];
	s0 =	simm.s32 @p2 $0x1  }
0x17: {  	s4 =	simm.s32 $0x1BF5;
	[smem:$0x3FB0] =	sst s0  }
0x18: {  	s0 =	sld [smem:$0x3F93];
	_ =	swait.ge [sflag:s4], $0x0  }
0x19: {  	s7 =	sld [smem:$0x3F94]  }
0x1a: {  	s8 =	sadd.s32 $0xFFFFE003, lr  }
0x1b: {  	s9 =	sadd.s32 $0xFFFFFEF7, lr;
	s5 =	simm.s32 $0xFFFFFFFF;
	p2 =	slt.u32 s8, $0xFFFFF086  }
0x1c: {  	p1 =	slt.u32 s9, $0xF7A;
	s5 =	simm.s32 @!p2 $0x0  }
0x1d: {  	s5 =	simm.s32 @p1 $0x1;
	p0 =	seq.s32 s7, s2  }
0x1e: {  	s7 =	smul.u32 @!p0 $0xF7A, s2;
	p2 =	seq.s32 @!p0 s5, $0x0  }
0x1f: {  	s9 =	smul.u32 $0xF7A, s1;
	s8 =	simm.s32 @!p0 $0x1BF5;
	p2 =	por !p2, p0  }
0x20: {  	[sflag:s8] =	ssyncset.s32 @!p0 $0xFFFFF086;
	s6 =	sadd.s32 @!p0 s3, s7;
	s7 =	simm.s32 @!p0 $0x108  }
0x21: {  	s3 =	sadd.s32 s3, s9;
	s6 =	sadd.s32 @!p0 $0x88, s6;
	s7 =	simm.s32 @p2 $0x1082  }
0x22: {  	[simem:s7], [sflag:s8] =	dma.local @!p0 [hbm:s6], $0xF7A  }
0x23: {  	s9 =	sor.u32 $0xD0000000, s2;
	s6 =	simm.s32 $0x108;
	_ =	swait.ge @!p0 [sflag:s8], $0x0  }
0x24: {  	s3 =	sadd.s32 $0x88, s3;
	s6 =	simm.s32 @!p1 $0x1082;
	[sflag:s4] =	ssyncset.s32 $0xFFFFF086  }
0x25: {  	[simem:s6], [sflag:s4] =	dma.local [hbm:s3], $0xF7A  }
0x26: {  	[smem:$0x3F94] =	sst s1;
	(tag) =	ssettag s2;
	_ =	strace s9  }
0x27: {  	s1 =	sld [smem:$0x3FA4]  }
0x28: {  	s2 =	sld [smem:$0x3FA5]  }
0x29: {  	s4 =	sld [smem:$0x3FA7]  }
0x2a: {  	p0 =	seq.s32 s5, $0x0;
	s5 =	sld [smem:$0x3FA8]  }
0x2b: {  	s6 =	sld [smem:$0x3FA9]  }
0x2c: {  	s7 =	sld [smem:$0x3FAA]  }
0x2d: {  	s3 =	simm.s32 $0x108;
	s8 =	sld [smem:$0x3FAB]  }
0x2e: {  	s3 =	simm.s32 @!p0 $0x1082;
	s9 =	sld [smem:$0x3FAC]  }
0x2f: {  	lr =	sadd.s32 s0, s3;
	s0 =	sld [smem:$0x3FA3]  }
0x30: {  	s3 =	sld [smem:$0x3FA6]  }
0x31: {  	[smem:$0x3FAF] =	sst s10  }
0x32: {  	s10 =	sld [smem:$0x3FAD];
	_ =	sdelay $0x3  }
0x33: {  	p0 =	seq.s32 s10, $0x1;
	s10 =	sld [smem:$0x3FAF];
	_ =	sdelay $0x3  }
0x34: {  	[smem:$0x3FAF] =	sst s10  }
0x35: {  	s10 =	sld [smem:$0x3FAE];
	_ =	sdelay $0x3  }
0x36: {  	p1 =	seq.s32 s10, $0x1;
	s10 =	sld [smem:$0x3FAF];
	_ =	sdelay $0x3  }
0x37: {  	[smem:$0x3FAF] =	sst s10  }
0x38: {  	s10 =	sld [smem:$0x3FB0]  }
0x39: {  	_ = 	snop;
	(pc) =	sbr.ind lr, $3  }
0x3a: {  	_ = 	snop  }
0x3b: {  	_ = 	snop  }
0x3c: {  	p2 =	seq.s32 s10, $0x1;
	s10 =	sld [smem:$0x3FAF]  }
0x3d: {  	_ =	shalt  }
0x3e: {  	_ =	shalt  }
0x3f: {  	_ =	shalt  }
0x40: {  	_ =	shalt  }
0x41: {  	_ =	shalt  }
0x42: {  	_ =	shalt  }
0x43: {  	_ =	shalt  }
0x44: {  	_ =	shalt  }
0x45: {  	_ =	shalt  }
0x46: {  	_ =	shalt  }
0x47: {  	_ =	shalt  }
0x48: {  	_ =	shalt  }
0x49: {  	_ =	shalt  }
0x4a: {  	_ =	shalt  }
0x4b: {  	_ =	shalt  }
0x4c: {  	_ =	shalt  }
0x4d: {  	_ =	shalt  }
0x4e: {  	_ =	shalt  }
0x4f: {  	_ =	shalt  }
0x50: {  	_ =	shalt  }
0x51: {  	_ =	shalt  }
0x52: {  	_ =	shalt  }
0x53: {  	_ =	shalt  }
0x54: {  	_ =	shalt  }
0x55: {  	_ =	shalt  }
0x56: {  	_ =	shalt  }
0x57: {  	_ =	shalt  }
0x58: {  	_ =	shalt  }
0x59: {  	_ =	shalt  }
0x5a: {  	_ =	shalt  }
0x5b: {  	_ =	shalt  }
0x5c: {  	_ =	shalt  }
0x5d: {  	_ =	shalt  }
0x5e: {  	_ =	shalt  }
0x5f: {  	_ =	shalt  }
0x60: {  	_ =	shalt  }
0x61: {  	_ =	shalt  }
0x62: {  	_ =	shalt  }
0x63: {  	_ =	shalt  }
0x64: {  	_ =	shalt  }
0x65: {  	_ =	shalt  }
0x66: {  	_ =	shalt  }
0x67: {  	_ =	shalt  }
0x68: {  	_ =	shalt  }
0x69: {  	_ =	shalt  }
0x6a: {  	_ =	shalt  }
0x6b: {  	_ =	shalt  }
0x6c: {  	_ =	shalt  }
0x6d: {  	_ =	shalt  }
0x6e: {  	_ =	shalt  }
0x6f: {  	_ =	shalt  }
0x70: {  	_ =	shalt  }
0x71: {  	_ =	shalt  }
0x72: {  	_ =	shalt  }
0x73: {  	_ =	shalt  }
0x74: {  	_ =	shalt  }
0x75: {  	_ =	shalt  }
0x76: {  	_ =	shalt  }
0x77: {  	_ =	shalt  }
0x78: {  	_ =	shalt  }
0x79: {  	_ =	shalt  }
0x7a: {  	_ =	shalt  }
0x7b: {  	_ =	shalt  }
0x7c: {  	_ =	shalt  }
0x7d: {  	_ =	shalt  }
0x7e: {  	_ =	shalt  }
0x7f: {  	_ =	shalt  }
0x80: {  	_ =	shalt  }
0x81: {  	_ =	shalt  }
0x82: {  	_ =	shalt  }
0x83: {  	_ =	shalt  }
0x84: {  	_ =	shalt  }
0x85: {  	_ =	shalt  }
0x86: {  	_ =	shalt  }
0x87: {  	_ =	shalt  }
.Lfunc_end0:
.L_simem_size_0:
called_computation_lowered:
.L_overlay_start_0:
0x88: {  	s2 =	sld [smem:$0x3FD9]  }
0x89: {  	s3 =	sld [smem:$0x3FFE];
	_ =	sdelay $0x1  }
0x8a: {  	s1 =	srdreg.scid  }
0x8b: {  	s0 =	sand.u32 $0x1, s1  }
0x8c: {  	s16 =	sshll.u32 s0, $0xA;
	s2 =	sadd.s32 s3, s2  }
0x8d: {  	s2 =	sadd.s32 s2, s16  }
0x8e: {  	[smem:$0x3FBB] =	sst s2  }
0x8f: {  	_ = 	snop  }
0x90: {  	(tm) =	ssettm $0x1  }
0x91: {  	s17 =	sld [smem:$0x3FFB];
	_ =	sdelay $0x3  }
0x92: {  	_ =	strace s17  }
0x93: {  	s2 =	sld [smem:$0x3FFC];
	_ =	sdelay $0x3  }
0x94: {  	_ =	strace s2  }
0x95: {  	s2 =	sld [smem:$0x3FFD];
	_ =	sdelay $0x3  }
0x96: {  	_ =	strace s2  }
0x97: {  	_ =	strace $0x8FFFFFFF  }
0x98: {  	s18 =	sld [smem:$0x3FDB];
	_ =	sdelay $0x1  }
0x99: {  	s19 =	simm.s32 $_scs_section_size  }
0x9a: {  	s4 =	simm.s32 $_size__tile_overlayer_lowered;
	s5 =	simm.s32 $_tile_overlayer_lowered  }
0x9b: {  	s22 =	simm.s32 $0x1BFF;
	s21 =	sshll.u32 s5, $0x1;
	s2 =	sadd.s32 s19, s18  }
0x9c: {  	s6 =	simm.s32 $0x0;
	s20 =	sshll.u32 s4, $0x1;
	s4 =	sadd.s32 s21, s2  }
0x9d: {  	[timem:s6], [sflag:s22] =	dma.local [hbm:s4], s20  }
0x9e: {  	_ =	swait.ge [sflag:s22], s20  }
0x9f: {  	s3 =	ssub.s32 $0x0, s20;
	[sflag:s22] =	ssyncset.done $0x0  }
0xa0: {  	[sflag:s22] =	ssyncadd.s32 s3;
	_ =	sdelay $0x1  }
0xa1: {  	s23 =	simm.s32 $0x1B8B  }
0xa2: {  	_ =	swait.ge [sflag:s23], $0x1  }
0xa3: {  	[sflag:s23] =	ssyncset.done $0x0  }
0xa4: {  	s25 =	simm.s32 $0x1B8E;
	s24 =	sld [smem:$0x3FFE];
	[sflag:s23] =	ssyncadd.s32 $0xFFFFFFFF  }
0xa5: {  	s26 =	simm.s32 $execute0_lowered;
	[smem:$0x3FD2] =	sst s25  }
0xa6: {  	s4 =	sshll.u32 s26, $0x1;
	_ =	strace $0x80000046;
	[dreg:$0x1] =	wrdreg $0xFFFFFFFF  }
0xa7: {  	s28 =	simm.s32 $_size_execute0_lowered;
	s2 =	sadd.s32 s2, s4;
	[dreg:$0x0] =	wrdreg $0x0  }
0xa8: {  	s4 =	sshll.u32 s28, $0x1;
	[dreg:$0x2] =	wrdreg s2  }
0xa9: {  	[dreg:$0x3] =	wrdreg s4  }
0xaa: {  	[dreg:$0x4] =	wrdreg $0xC0  }
0xab: {  	_ =	task [dreg:s6], $0x5FFFF  }
0xac: {  	[dreg:$0x1] =	wrdreg $0xFFFFFFFF  }
0xad: {  	[dreg:$0x0] =	wrdreg $0x60  }
0xae: {  	[dreg:$0x2] =	wrdreg s24  }
0xaf: {  	[dreg:$0x3] =	wrdreg $0x53800  }
0xb0: {  	[dreg:$0x4] =	wrdreg $0x1DD800  }
0xb1: {  	[dreg:$0x5] =	wrdreg $0x9  }
0xb2: {  	_ =	task.clear_ibuf [dreg:s6], $0x6FFFF;
	_ =	strace $0x90000046  }
0xb3: {  	s29 =	simm.s32 $0x9;
	_ =	strace $0x80000048  }
0xb4: {  	_ =	swait.ge [sflag:s29], $0x1  }
0xb5: {  	[sflag:s29] =	ssyncadd.s32 $0xFFFFFFFF  }
0xb6: {  	_ =	strace $0x90000048  }
0xb7: {  	_ =	sfence  }
0xb8: {  	s30 =	sld [smem:$0x0];
	_ =	sdelay $0x2  }
0xb9: {  	s31 =	sshll.u32 s1, $0xD;
	s1 =	sshrl.u32 s1, $0x2  }
0xba: {  	s3 =	sand.u32 $0x4000, s31;
	s1 =	sadd.s32 s1, s30  }
0xbb: {  	s0 =	sor.u32 s3, s0;
	s1 =	sshll.u32 s1, $0x11  }
0xbc: {  	s0 =	sor.u32 s1, s0  }
0xbd: {  	s0 =	sadd.s32 $0x8F2B, s0  }
0xbe: {  	[sflag:s0] =	ssyncadd.remote.s32 $0x1  }
0xbf: {  	_ =	sfence.sel $0xFFFF  }
0xc0: {  	[dreg:$0x0] =	wrdreg $0xFFFFFFFF;
	(pc) =	sbr.abs _section_cstart, $3  }
0xc1: {  	[dreg:$0x1] =	wrdreg $0xFFFFFFFF  }
0xc2: {  	_ =	task.clear_ibuf [dreg:s6], $0x2FFFF;
	_ =	strace $0x9FFFFFFF  }
0xc3: {  	(tm) =	ssettm $0x7FFFFFFF  }
tec
execute0_lowered:
.L_overlay_start_1:
0x0: {  	(tag) =	ssettag $0x1  }
0x1: {  	s6 =	rddreg [dreg:$0x0];
	s0 =	srdreg.scid  }
0x2: {  	s2 =	rddreg [dreg:$0x1];
	s7 =	sand.u32 $0x1, s0  }
0x3: {  	s0 =	stileid.u32;
	s5 =	smul.u32 $0x18A000, s7  }
0x4: {  	s3 =	rddreg [dreg:$0x2];
	s9 =	smul.u32 $0x18A00, s0  }
0x5: {  	s1 =	rddreg [dreg:$0x3];
	s10 =	smul.u32 $0x628, s0  }
0x6: {  	s4 =	simm.s32 $0x0;
	s16 =	simm.s32 $0x2;
	s8 =	smul.u32 $0x6280, s7  }
0x7: {  	s17 =	simm.s32 $0x5300;
	s18 =	simm.s32 $0x100;
	s11 =	smul.u32 $0x1920, s0  }
0x8: {  	s19 =	simm.s32 $0x80;
	s20 =	simm.s32 $0x300;
	s23 =	smul.u32 $0x6200, s7  }
0x9: {  	[smem:$0x7FF] =	sst s4;
	s25 =	ssub.s32 $0x2, s7;
	s28 =	smul.u32 $0x18A0, s0  }
0xa: {  	_ =	strace $0x80000047;
	s29 =	smul.u32 $0x62800, s0;
	s13 =	sshrl.u32 s25, $0x1  }
0xb: {  	s12 =	sadd.s32 s9, s5;
	s5 =	sadd.s32 $0x3400, s6;
	s8 =	sadd.s32 s10, s8  }
0xc: {  	s14 =	sadd.s32 s11, s6;
	s26 =	sadd.s32 $0x600, s10;
	s13 =	ssub.s32 s25, s13  }
0xd: {  	s24 =	sadd.s32 s9, s2;
	s25 =	sadd.s32 s10, s3;
	s30 =	sshrl.u32 s28, $0x2  }
0xe: {  	s31 =	sshrl.u32 s29, $0x2;
	s12 =	sshrl.u32 s12, $0x3;
	s8 =	sshrl.u32 s8, $0x3  }
0xf: {  	s15 =	sshll.u32 s26, $0x6;
	s7 =	sadd.s32 s26, s3;
	s10 =	smax.u32 s13, $0x1  }
0x10: {  	s11 =	sadd.s32 s30, s3;
	s13 =	sadd.s32 $0x7E600, s14;
	s14 =	sadd.s32 $0x65400, s14  }
0x11: {  	v0 =	vmov s23;
	s23 =	sshrl.u32 s24, $0x3;
	s24 =	sshrl.u32 s25, $0x3;
	s25 =	simm.s32 $0x0  }
0x12: {  	s21 =	sadd.s32 s12, s6;
	s22 =	sadd.s32 s8, s6;
	s6 =	sadd.s32 s15, s2  }
0x13: {  	s12 =	sadd.s32 s31, s2;
	s15 =	simm.s32 $0x4300;
	s8 =	sadd.s32 $0x99200, s21  }
0x14: {  	v1 =	vimm.f32 $0.0e+00;
	v2 =	vimm.f32 $1.000000000e+00;
	s9 =	sadd.s32 $0x97800, s22;
	s21 =	simm.s32 $0x1;
	s22 =	simm.s32 $0x200  }
.LBB2_1:
0x15: {  	s28 =	simm.s32 $0x100;
	s26 =	simm.s32 $0x0  }
.LBB2_2:
0x16: {  	p0 =	sne.s32 s28, $0x3F00;
	[tilespmem:s26+$0x4330] =	vst v1;
	s29 =	smov.u32 s28;
	s28 =	sadd.s32 $0x100, s28  }
.Ltmp0:
0x17: {  	[tilespmem:s26+$0x4320] =	vst v1;
	(pc) =	sbr.rel @p0 .LBB2_2-.Ltmp0, $3  }
0x18: {  	[tilespmem:s26+$0x4300] =	vst v1  }
0x19: {  	[tilespmem:s26+$0x4310] =	vst v1;
	_ =	sdelay $0x1  }
0x1a: {  	s26 =	sshra.s32 s29, $0x2  }
0x1b: {  	[tilespmem:s26+$0x4330] =	vst v1  }
0x1c: {  	[tilespmem:s26+$0x4320] =	vst v1  }
0x1d: {  	[tilespmem:s26+$0x4300] =	vst v1  }
0x1e: {  	[tilespmem:s26+$0x4310] =	vst v1  }
0x1f: {  	[tilespmem:$0x5300] =	vst v1  }
0x20: {  	[tilespmem:$0x5310] =	vst v1  }
0x21: {  	[tilespmem:$0x5320] =	vst v1  }
0x22: {  	[tilespmem:$0x5330] =	vst v1  }
0x23: {  	[tilespmem:$0x5340] =	vst v1  }
0x24: {  	[tilespmem:$0x5350] =	vst v1  }
0x25: {  	[tilespmem:$0x5360] =	vst v1  }
0x26: {  	[tilespmem:$0x5370] =	vst v1  }
0x27: {  	[spmem:s12] =	stream.linear.scatter [tilespmem:s15], [sflag:$0x2], $0x1000, $0x38;
	[tilespmem:$0x1E3A8] =	vst v63  }
0x28: {  	_ =	swait.ge [sflag:s16], $0x1000  }
0x29: {  	[sflag:s16] =	ssyncset.done $0x0  }
0x2a: {  	s31 =	sadd.s32 $0x0, s11;
	[sflag:s16] =	ssyncadd.s32 $0xFFFFF000  }
0x2b: {  	[spmem:s31] =	stream.linear.scatter [tilespmem:s17], [sflag:$0x2], $0x40, $0x38;
	[tilespmem:$0x1E3A8] =	vst v63  }
0x2c: {  	_ =	swait.ge [sflag:s16], $0x40  }
0x2d: {  	s26 =	simm.s32 $0x100;
	s28 =	smov.u32 s12;
	[sflag:s16] =	ssyncset.done $0x0  }
.LBB2_4:
0x2e: {  	p0 =	sne.s32 s26, $0x1700;
	[sflag:s16] =	ssyncadd.s32 $0xFFFFFFC0;
	s28 =	sadd.s32 $0x1000, s28  }
0x2f: {  	[spmem:s28] =	stream.linear.scatter [tilespmem:s15], [sflag:$0x2], $0x1000, $0x38;
	[tilespmem:$0x1E3A8] =	vst v63  }
0x30: {  	s29 =	smov.u32 s26;
	s26 =	sadd.s32 $0x100, s26;
	_ =	swait.ge [sflag:s16], $0x1000  }
.Ltmp1:
0x31: {  	s29 =	sshra.s32 s29, $0x2;
	[sflag:s16] =	ssyncset.done $0x0;
	(pc) =	sbr.rel @p0 .LBB2_4-.Ltmp1, $4  }
0x32: {  	s29 =	sadd.s32 s29, s11;
	[sflag:s16] =	ssyncadd.s32 $0xFFFFF000  }
0x33: {  	[spmem:s29] =	stream.linear.scatter [tilespmem:s17], [sflag:$0x2], $0x40, $0x38;
	[tilespmem:$0x1E3A8] =	vst v63  }
0x34: {  	_ =	swait.ge [sflag:s16], $0x40  }
0x35: {  	[sflag:s16] =	ssyncset.done $0x0  }
0x36: {  	[sflag:s16] =	ssyncadd.s32 $0xFFFFFFC0  }
0x37: {  	[spmem:s6] =	stream.linear.scatter [tilespmem:s15], [sflag:$0x2], $0xA00, $0x38;
	[tilespmem:$0x1E3A8] =	vst v63  }
0x38: {  	_ =	swait.ge [sflag:s16], $0xA00  }
0x39: {  	[sflag:s16] =	ssyncset.done $0x0  }
0x3a: {  	[sflag:s16] =	ssyncadd.s32 $0xFFFFF600  }
0x3b: {  	[spmem:s7] =	stream.linear.scatter [tilespmem:s17], [sflag:$0x2], $0x28, $0x38;
	[tilespmem:$0x1E3A8] =	vst v63  }
0x3c: {  	_ =	swait.ge [sflag:s16], $0x28  }
0x3d: {  	[sflag:s16] =	ssyncset.done $0x0  }
0x3e: {  	[sflag:s16] =	ssyncadd.s32 $0xFFFFFFD8  }
0x3f: {  	[tilespmem:$0x5300] =	vst v2  }
0x40: {  	[tilespmem:$0x5310] =	vst v2  }
0x41: {  	[tilespmem:$0x5320] =	vst v2  }
0x42: {  	[tilespmem:$0x5330] =	vst v2  }
0x43: {  	[tilespmem:$0x5340] =	vst v2  }
0x44: {  	[tilespmem:$0x5350] =	vst v2  }
0x45: {  	[tilespmem:$0x5360] =	vst v2  }
0x46: {  	[tilespmem:$0x5370] =	vst v2  }
0x47: {  	s26 =	sadd.s32 $0x0, s14;
	[bflag:$0x0] =	sbarrier.arrive $0xFFFF  }
0x48: {  	[tilespmem:s4], [sflag:$0x2] =	stream.linear.gather [hbm4b:s26+s4], $0x80, $0x38;
	[tilespmem:$0x1E3A8] =	vst v63  }
0x49: {  	_ =	swait.ge [sflag:s16], $0x80  }
0x4a: {  	[sflag:s16] =	ssyncset.done $0x0  }
0x4b: {  	s31 =	sadd.s32 $0x0, s13;
	[sflag:s16] =	ssyncadd.s32 $0xFFFFFF80  }
0x4c: {  	[tilespmem:s18], [sflag:$0x2] =	stream.linear.gather [hbm4b:s31+s4], $0x80, $0x38;
	[tilespmem:$0x1E3A8] =	vst v63  }
0x4d: {  	_ =	swait.ge [sflag:s16], $0x80  }
0x4e: {  	[sflag:s16] =	ssyncset.done $0x0  }
0x4f: {  	[sflag:s16] =	ssyncadd.s32 $0xFFFFFF80  }
0x50: {  	v3 =	vld [tilespmem:$0x140]  }
0x51: {  	v4 =	vld [tilespmem:$0x130]  }
0x52: {  	v5 =	vld [tilespmem:$0x100]  }
0x53: {  	v6 =	vld [tilespmem:$0x120]  }
0x54: {  	v7 =	vld [tilespmem:$0x160]  }
0x55: {  	v8 =	vld [tilespmem:$0x110];
	v3 =	vsub.s32 v3, v0  }
0x56: {  	v9 =	vld [tilespmem:$0x150];
	v4 =	vsub.s32 v4, v0;
	v3 =	vmin.u32 v3, $0x6200  }
0x57: {  	v10 =	vld [tilespmem:$0x170];
	v5 =	vsub.s32 v5, v0;
	v4 =	vmin.u32 v4, $0x6200;
	[tilespmem:$0x240] =	vst v3  }
0x58: {  	v3 =	vmin.u32 v5, $0x6200;
	v5 =	vsub.s32 v6, v0;
	[tilespmem:$0x230] =	vst v4  }
0x59: {  	v4 =	vsub.s32 v7, v0;
	[tilespmem:$0x200] =	vst v3;
	v3 =	vmin.u32 v5, $0x6200  }
0x5a: {  	v5 =	vsub.s32 v8, v0;
	[tilespmem:$0x220] =	vst v3;
	v3 =	vmin.u32 v4, $0x6200  }
0x5b: {  	v4 =	vmin.u32 v5, $0x6200;
	v5 =	vsub.s32 v9, v0;
	[tilespmem:$0x260] =	vst v3  }
0x5c: {  	s28 =	simm.s32 $0x20;
	s26 =	simm.s32 $0x10;
	[tilespmem:$0x210] =	vst v4;
	v3 =	vmin.u32 v5, $0x6200;
	v4 =	vsub.s32 v10, v0  }
.LBB2_6:
0x5d: {  	p0 =	sne.s32 s28, $0x1910;
	[tilespmem:$0x250] =	vst v3;
	v3 =	vmin.u32 v4, $0x6200;
	s29 =	smov.u32 s28;
	s28 =	sadd.s32 $0x10, s28  }
0x5e: {  	[tilespmem:$0x270] =	vst v3  }
0x5f: {  	[tilespmem:s20], [sflag:$0x1] =	stream.indirect.gather [hbm4b:s5+s19], $0x40, s4, s19, $0xb8;
	[tilespmem:$0x1E3A8] =	vst v63  }
0x60: {  	_ =	swait.ge [sflag:s21], $0x2000  }
0x61: {  	[sflag:s21] =	ssyncset.done $0x0  }
0x62: {  	[sflag:s21] =	ssyncadd.s32 $0xFFFFE000  }
0x63: {  	[spmem:s2] =	stream.indirect.scatter.add.f32 [tilespmem:s20], [sflag:$0x2], $0x40, s22, s19, $0xb8;
	[tilespmem:$0x1E3A8] =	vst v63  }
0x64: {  	_ =	swait.ge [sflag:s16], $0x2000  }
0x65: {  	[sflag:s16] =	ssyncset.done $0x0  }
0x66: {  	[sflag:s16] =	ssyncadd.s32 $0xFFFFE000  }
0x67: {  	[spmem:s3] =	stream.indirect.scatter.add.f32 [tilespmem:s17], [sflag:$0x2], $0x1, s22, s19, $0xb8;
	[tilespmem:$0x1E3A8] =	vst v63  }
0x68: {  	_ =	swait.ge [sflag:s16], $0x80  }
0x69: {  	[sflag:s16] =	ssyncset.done $0x0  }
0x6a: {  	s30 =	sadd.s32 s26, s14;
	[sflag:s16] =	ssyncadd.s32 $0xFFFFFF80  }
0x6b: {  	[tilespmem:s4], [sflag:$0x2] =	stream.linear.gather [hbm4b:s30+s4], $0x80, $0x38;
	[tilespmem:$0x1E3A8] =	vst v63  }
0x6c: {  	_ =	swait.ge [sflag:s16], $0x80  }
0x6d: {  	[sflag:s16] =	ssyncset.done $0x0  }
0x6e: {  	s30 =	sadd.s32 s26, s13;
	s26 =	smov.u32 s29;
	[sflag:s16] =	ssyncadd.s32 $0xFFFFFF80  }
0x6f: {  	[tilespmem:s18], [sflag:$0x2] =	stream.linear.gather [hbm4b:s30+s4], $0x80, $0x38;
	[tilespmem:$0x1E3A8] =	vst v63  }
0x70: {  	_ =	swait.ge [sflag:s16], $0x80  }
0x71: {  	[sflag:s16] =	ssyncset.done $0x0  }
0x72: {  	[sflag:s16] =	ssyncadd.s32 $0xFFFFFF80  }
0x73: {  	v3 =	vld [tilespmem:$0x140]  }
0x74: {  	v4 =	vld [tilespmem:$0x130]  }
0x75: {  	v5 =	vld [tilespmem:$0x100]  }
0x76: {  	v6 =	vld [tilespmem:$0x120]  }
0x77: {  	v7 =	vld [tilespmem:$0x160]  }
0x78: {  	v8 =	vld [tilespmem:$0x110];
	v3 =	vsub.s32 v3, v0  }
0x79: {  	v4 =	vsub.s32 v4, v0;
	v3 =	vmin.u32 v3, $0x6200;
	v9 =	vld [tilespmem:$0x150]  }
0x7a: {  	v5 =	vsub.s32 v5, v0;
	v4 =	vmin.u32 v4, $0x6200;
	[tilespmem:$0x240] =	vst v3;
	v10 =	vld [tilespmem:$0x170]  }
.Ltmp2:
0x7b: {  	v3 =	vmin.u32 v5, $0x6200;
	v5 =	vsub.s32 v6, v0;
	[tilespmem:$0x230] =	vst v4;
	(pc) =	sbr.rel @p0 .LBB2_6-.Ltmp2, $4  }
0x7c: {  	[tilespmem:$0x200] =	vst v3;
	v3 =	vmin.u32 v5, $0x6200;
	v4 =	vsub.s32 v7, v0  }
0x7d: {  	v5 =	vsub.s32 v8, v0;
	[tilespmem:$0x220] =	vst v3;
	v3 =	vmin.u32 v4, $0x6200  }
0x7e: {  	v4 =	vmin.u32 v5, $0x6200;
	v5 =	vsub.s32 v9, v0;
	[tilespmem:$0x260] =	vst v3  }
0x7f: {  	[tilespmem:$0x210] =	vst v4;
	v3 =	vmin.u32 v5, $0x6200;
	v4 =	vsub.s32 v10, v0  }
0x80: {  	[tilespmem:$0x250] =	vst v3;
	v3 =	vmin.u32 v4, $0x6200  }
0x81: {  	[tilespmem:$0x270] =	vst v3  }
0x82: {  	[tilespmem:s20], [sflag:$0x1] =	stream.indirect.gather [hbm4b:s5+s19], $0x40, s4, s19, $0xb8;
	[tilespmem:$0x1E3A8] =	vst v63  }
0x83: {  	_ =	swait.ge [sflag:s21], $0x2000  }
0x84: {  	[sflag:s21] =	ssyncset.done $0x0  }
0x85: {  	[sflag:s21] =	ssyncadd.s32 $0xFFFFE000  }
0x86: {  	[spmem:s2] =	stream.indirect.scatter.add.f32 [tilespmem:s20], [sflag:$0x2], $0x40, s22, s19, $0xb8;
	[tilespmem:$0x1E3A8] =	vst v63  }
0x87: {  	_ =	swait.ge [sflag:s16], $0x2000  }
0x88: {  	[sflag:s16] =	ssyncset.done $0x0  }
0x89: {  	[sflag:s16] =	ssyncadd.s32 $0xFFFFE000  }
0x8a: {  	[spmem:s3] =	stream.indirect.scatter.add.f32 [tilespmem:s17], [sflag:$0x2], $0x1, s22, s19, $0xb8;
	[tilespmem:$0x1E3A8] =	vst v63  }
0x8b: {  	_ =	swait.ge [sflag:s16], $0x80  }
0x8c: {  	[sflag:s16] =	ssyncset.done $0x0  }
0x8d: {  	s28 =	sadd.s32 s26, s14;
	[sflag:s16] =	ssyncadd.s32 $0xFFFFFF80  }
0x8e: {  	[tilespmem:s4], [sflag:$0x2] =	stream.linear.gather [hbm4b:s28+s4], $0x80, $0x38;
	[tilespmem:$0x1E3A8] =	vst v63  }
0x8f: {  	_ =	swait.ge [sflag:s16], $0x80  }
0x90: {  	[sflag:s16] =	ssyncset.done $0x0  }
0x91: {  	s30 =	sadd.s32 s26, s13;
	[sflag:s16] =	ssyncadd.s32 $0xFFFFFF80  }
0x92: {  	[tilespmem:s18], [sflag:$0x2] =	stream.linear.gather [hbm4b:s30+s4], $0x80, $0x38;
	[tilespmem:$0x1E3A8] =	vst v63  }
0x93: {  	_ =	swait.ge [sflag:s16], $0x80  }
0x94: {  	[sflag:s16] =	ssyncset.done $0x0  }
0x95: {  	[sflag:s16] =	ssyncadd.s32 $0xFFFFFF80  }
0x96: {  	v3 =	vld [tilespmem:$0x140]  }
0x97: {  	v56 =	vld [tilespmem:$0x130]  }
0x98: {  	v5 =	vld [tilespmem:$0x100]  }
0x99: {  	v6 =	vld [tilespmem:$0x120]  }
0x9a: {  	v7 =	vld [tilespmem:$0x160]  }
0x9b: {  	v8 =	vld [tilespmem:$0x110];
	v3 =	vsub.s32 v3, v0  }
0x9c: {  	v9 =	vld [tilespmem:$0x150];
	v4 =	vsub.s32 v56, v0;
	v3 =	vmin.u32 v3, $0x6200  }
0x9d: {  	v5 =	vsub.s32 v5, v0;
	v4 =	vmin.u32 v4, $0x6200;
	[tilespmem:$0x240] =	vst v3;
	v3 =	vld [tilespmem:$0x170]  }
0x9e: {  	v6 =	vsub.s32 v6, v0;
	v5 =	vmin.u32 v5, $0x6200;
	[tilespmem:$0x230] =	vst v4  }
0x9f: {  	v58 =	vsub.s32 v7, v0;
	v57 =	vmin.u32 v6, $0x6200;
	[tilespmem:$0x200] =	vst v5  }
0xa0: {  	v59 =	vsub.s32 v8, v0;
	v60 =	vmin.u32 v58, $0x6200;
	[tilespmem:$0x220] =	vst v57  }
0xa1: {  	v62 =	vsub.s32 v9, v0;
	v61 =	vmin.u32 v59, $0x6200;
	[tilespmem:$0x260] =	vst v60  }
0xa2: {  	v63 =	vmin.u32 v62, $0x6200;
	[tilespmem:$0x210] =	vst v61;
	v3 =	vsub.s32 v3, v0  }
0xa3: {  	[tilespmem:$0x250] =	vst v63;
	v3 =	vmin.u32 v3, $0x6200  }
0xa4: {  	[tilespmem:$0x270] =	vst v3  }
0xa5: {  	[tilespmem:s20], [sflag:$0x1] =	stream.indirect.gather [hbm4b:s5+s19], $0x40, s4, s19, $0xb8;
	[tilespmem:$0x1E3A8] =	vst v63  }
0xa6: {  	_ =	swait.ge [sflag:s21], $0x2000  }
0xa7: {  	[sflag:s21] =	ssyncset.done $0x0  }
0xa8: {  	[sflag:s21] =	ssyncadd.s32 $0xFFFFE000  }
0xa9: {  	[spmem:s2] =	stream.indirect.scatter.add.f32 [tilespmem:s20], [sflag:$0x2], $0x40, s22, s19, $0xb8;
	[tilespmem:$0x1E3A8] =	vst v63  }
0xaa: {  	_ =	swait.ge [sflag:s16], $0x2000  }
0xab: {  	[sflag:s16] =	ssyncset.done $0x0  }
0xac: {  	[sflag:s16] =	ssyncadd.s32 $0xFFFFE000  }
0xad: {  	[spmem:s3] =	stream.indirect.scatter.add.f32 [tilespmem:s17], [sflag:$0x2], $0x1, s22, s19, $0xb8;
	[tilespmem:$0x1E3A8] =	vst v63  }
0xae: {  	_ =	swait.ge [sflag:s16], $0x80  }
0xaf: {  	[sflag:s16] =	ssyncset.done $0x0  }
0xb0: {  	s31 =	sshll.u32 s0, $0x6;
	[sflag:s16] =	ssyncadd.s32 $0xFFFFFF80  }
0xb1: {  	s26 =	sor.u32 $0x1C02, s31;
	[bflag:$0x0] =	sbarrier.arrive $0xFFFF  }
0xb2: {  	[hbm:s8], [sflag:s26] =	dma.local [spmem:s23], $0x3140  }
0xb3: {  	s25 =	sadd.s32 $0x1, s25;
	_ =	swait.ge [sflag:s16], $0x3140  }
0xb4: {  	p0 =	sne.s32 s25, s10;
	[sflag:s16] =	ssyncset.done $0x0  }
.Ltmp3:
0xb5: {  	[sflag:s16] =	ssyncadd.s32 $0xFFFFCEC0;
	(pc) =	sbr.rel @p0 .LBB2_1-.Ltmp3, $4  }
0xb6: {  	[hbm:s9], [sflag:s26] =	dma.local [spmem:s24], $0xC5  }
0xb7: {  	_ =	swait.ge [sflag:s16], $0xC5  }
0xb8: {  	[sflag:s16] =	ssyncset.done $0x0  }
0xb9: {  	[sflag:s16] =	ssyncadd.s32 $0xFFFFFF3B  }
0xba: {  	_ =	sfence.sel $0x180000  }
0xbb: {  	[bflag:$0x0] =	sbarrier.arrive $0xFFFF  }
0xbc: {  	p0 =	sne.s32 s0, $0x0;
	_ =	strace $0x90000047  }
0xbd: {  	s0 =	sadd.s32 @!p0 $0x100000, s1;
	[bflag:$0x2] =	sbarrier.arrive $0xFFFF  }
0xbe: {  	[sflag:s0] =	ssyncadd.tile.s32 @!p0 $0x1;
	_ =	shalt  }
.Lfunc_end2:
_tile_overlayer_lowered:
.L_overlay_start_2:
0xbf: {  	(tag) =	ssettag $0x2  }
0xc0: {  	s0 =	rddreg [dreg:$0x0];
	s2 =	stileid.u32  }
0xc1: {  	s1 =	rddreg [dreg:$0x1];
	p0 =	sne.s32 s2, $0x0  }
0xc2: {  	s3 =	rddreg [dreg:$0x2];
	[bflag:$0x3] =	sbarrier.arrive $0xFFFF;
	s2 =	simm.s32 @!p0 $0x1C02  }
0xc3: {  	[timem:s3], [sflag:s2] =	dma.local @!p0 [hbm:s0], s1  }
0xc4: {  	s0 =	simm.s32 @!p0 $0x2  }
0xc5: {  	_ =	swait.ge @!p0 [sflag:s0], s1  }
0xc6: {  	s1 =	ssub.s32 @!p0 $0x0, s1;
	[sflag:s0] =	ssyncset.done @!p0 $0x0  }
0xc7: {  	[sflag:s0] =	ssyncadd.s32 @!p0 s1  }
0xc8: {  	[bflag:$0x3] =	sbarrier.arrive $0xFFFF  }
0xc9: {  	_ =	shalt  }

</sc_bundles>
